<compile_context>
chip_gen: v7x
topology: tpu7x:2x2x1
jax: 0.10.2.dev20260603
libtpu: 0.0.44.dev20260713+nightly
codegen_flags: <defaults>
</compile_context>

<pallas_src>
import functools

import jax
import jax.numpy as jnp
from jax import lax
from jax.experimental import pallas as pl
from jax.experimental.pallas import tpu as pltpu
from jax.experimental.pallas import tpu_sc as plsc

_NC = 2
_NS = 16
_NW = _NC * _NS

_CH = 32
_NSLOT = 3


def _sc_copy_body(s, e, tab_hbm, out_hbm, buf, in_sems, out_sems):
    rows_per_w = s // _NW
    nchunk = rows_per_w // _CH
    wid = lax.axis_index("s") * _NC + lax.axis_index("c")
    base = wid * rows_per_w

    def start_in(c, slot):
        cp = pltpu.make_async_copy(
            tab_hbm.at[pl.ds(base + c * _CH, _CH)], buf.at[slot, :, 0],
            in_sems.at[slot])
        cp.start()
        return cp

    def start_out(c, slot):
        cp = pltpu.make_async_copy(
            buf.at[slot], out_hbm.at[pl.ds(base + c * _CH, _CH)],
            out_sems.at[slot])
        cp.start()
        return cp

    ins = [None] * nchunk
    outs = [None] * nchunk
    for c in range(min(_NSLOT, nchunk)):
        ins[c] = start_in(c, c)
    for c in range(nchunk):
        slot = c % _NSLOT
        ins[c].wait()
        outs[c] = start_out(c, slot)
        nxt = c + _NSLOT
        if nxt < nchunk:
            outs[c].wait()
            ins[nxt] = start_in(nxt, slot)
    for c in range(max(nchunk - _NSLOT, 0), nchunk):
        outs[c].wait()


def kernel(x, pos_table):
    s = x.shape[0]
    n, e = pos_table.shape
    mesh = plsc.VectorSubcoreMesh(core_axis_name="c", subcore_axis_name="s")
    k = pl.kernel(
        functools.partial(_sc_copy_body, s, e),
        out_type=jax.ShapeDtypeStruct((s, 1, e), pos_table.dtype),
        mesh=mesh,
        scratch_types=[
            pltpu.VMEM((_NSLOT, _CH, 1, e), pos_table.dtype),
            pltpu.SemaphoreType.DMA((_NSLOT,)),
            pltpu.SemaphoreType.DMA((_NSLOT,)),
        ],
    )
    return k(pos_table)

# --- scband reference (transcript-rebuilt; emitter-appended) ---
"""Pipeline reference for scband-transformer-position-embed-74285754351862 (READ-ONLY COPY).

The authoritative reference and input builder live on the scoring server;
editing this copy changes nothing except your own understanding.
"""

import jax, jax.numpy as jnp
import numpy as np

NUM_MAX_POSITIONS = 8192
EMBED_DIM = 1024
SEQ_LEN = 4096
BATCH = 4


def setup_inputs(seed: int = 0) -> dict:
    key = jax.random.key(seed)
    k_x, k_tab = jax.random.split(key)
    x = jax.random.randint(k_x, (SEQ_LEN, BATCH), 0, 50000, dtype=jnp.int64 if jax.config.jax_enable_x64 else jnp.int32)
    pos_table = jax.random.normal(k_tab, (NUM_MAX_POSITIONS, EMBED_DIM), dtype=jnp.float32) * 0.02
    return {"x": x, "pos_table": pos_table}


def reference(x, pos_table):
    # positions = arange(len(x)).unsqueeze(-1) -> [S, 1]
    positions = jnp.arange(x.shape[0])[:, None]
    # nn.Embedding lookup -> [S, 1, embed_dim]
    h = jnp.take(pos_table, positions, axis=0)
    return h

if __name__ == "__main__":
    import jax
    _d = setup_inputs()
    print(jax.jit(kernel)(*tuple(_d.values())))

</pallas_src>

<mosaic_0001>
#map = affine_map<(d0, d1) -> (0, 0)>
#map1 = affine_map<(d0, d1) -> (0, 0, 0)>
module attributes {stable_mosaic.version = 14 : i64} {
  func.func @_sc_copy_body(%arg0: i32, %arg1: i32, %arg2: memref<8192x1024xf32, #tpu.memory_space<hbm>>, %arg3: memref<4096x1x1024xf32, #tpu.memory_space<hbm>>, %arg4: memref<3x32x1x1024xf32, #tpu.memory_space<vmem>>, %arg5: memref<3x!tpu.dma_semaphore, #tpu.memory_space<semaphore_mem>>, %arg6: memref<3x!tpu.dma_semaphore, #tpu.memory_space<semaphore_mem>>) attributes {dimension_semantics = [#tpu.dimension_semantics<core_parallel>, #tpu.dimension_semantics<subcore_parallel>], iteration_bounds = array<i64: 2, 16>, scalar_prefetch = 0 : i64, scratch_operands = 3 : i64, tpu.core_type = #tpu.core_type<sc_vector_subcore>, window_params = [{transform_indices = #map}, {transform_indices = #map1}]} {
    %mul3A = arith.constant 2 : i32
    %mul3A_0 = arith.muli %arg1, %mul3A : i32
    %add3A = arith.addi %mul3A_0, %arg0 : i32
    %mul3A_1 = arith.constant 128 : i32
    %mul3A_2 = arith.muli %add3A, %mul3A_1 : i32
    %add3A_3 = arith.constant 0 : i32
    %add3A_4 = arith.addi %mul3A_2, %add3A_3 : i32
    %dma_start3A = arith.constant 0 : i32
    %dma_start3A_5 = arith.constant 0 : i32
    %dma_start3A_6 = arith.constant 0 : i32
    %dma_start3A_7 = arith.constant 0 : i32
    %dma_start3A_8 = arith.constant 0 : i32
    %dma_start3A_9 = tpu.memref_slice %arg4[%dma_start3A, %dma_start3A_7, %dma_start3A_5, %dma_start3A_8] : memref<3x32x1x1024xf32, #tpu.memory_space<vmem>> -> memref<1x32x1x1024xf32, #tpu.memory_space<vmem>>
    %dma_start3A_10 = tpu.memref_squeeze %dma_start3A_9 : memref<1x32x1x1024xf32, #tpu.memory_space<vmem>> -> memref<32x1024xf32, #tpu.memory_space<vmem>>
    %dma_start3A_11 = arith.constant 0 : i32
    %dma_start3A_12 = tpu.memref_slice %arg2[%add3A_4, %dma_start3A_11] : memref<8192x1024xf32, #tpu.memory_space<hbm>> -> memref<32x1024xf32, #tpu.memory_space<hbm>>
    %dma_start3A_13 = tpu.memref_slice %arg5[%dma_start3A_6] : memref<3x!tpu.dma_semaphore, #tpu.memory_space<semaphore_mem>> -> memref<1x!tpu.dma_semaphore, #tpu.memory_space<semaphore_mem>>
    %dma_start3A_14 = tpu.memref_squeeze %dma_start3A_13 : memref<1x!tpu.dma_semaphore, #tpu.memory_space<semaphore_mem>> -> memref<!tpu.dma_semaphore, #tpu.memory_space<semaphore_mem>>
    %dma_start3A_15 = arith.constant 0 : i32
    %dma_start3A_16 = arith.constant 0 : i32
    %dma_start3A_17 = tpu.memref_slice %arg4[%dma_start3A, %dma_start3A_15, %dma_start3A_5, %dma_start3A_16] : memref<3x32x1x1024xf32, #tpu.memory_space<vmem>> -> memref<1x32x1x1024xf32, #tpu.memory_space<vmem>>
    %dma_start3A_18 = tpu.memref_squeeze %dma_start3A_17 : memref<1x32x1x1024xf32, #tpu.memory_space<vmem>> -> memref<32x1024xf32, #tpu.memory_space<vmem>>
    %dma_start3A_19 = arith.constant 0 : i32
    %dma_start3A_20 = tpu.memref_slice %arg2[%add3A_4, %dma_start3A_19] : memref<8192x1024xf32, #tpu.memory_space<hbm>> -> memref<32x1024xf32, #tpu.memory_space<hbm>>
    tpu.enqueue_dma source(%dma_start3A_20 : memref<32x1024xf32, #tpu.memory_space<hbm>>) target(%dma_start3A_18 : memref<32x1024xf32, #tpu.memory_space<vmem>>) target_semaphore(%dma_start3A_14 : memref<!tpu.dma_semaphore, #tpu.memory_space<semaphore_mem>>)
    %add3A_21 = arith.constant 32 : i32
    %add3A_22 = arith.addi %mul3A_2, %add3A_21 : i32
    %dma_start3A_23 = arith.constant 1 : i32
    %dma_start3A_24 = arith.constant 0 : i32
    %dma_start3A_25 = arith.constant 1 : i32
    %dma_start3A_26 = arith.constant 0 : i32
    %dma_start3A_27 = arith.constant 0 : i32
    %dma_start3A_28 = tpu.memref_slice %arg4[%dma_start3A_23, %dma_start3A_26, %dma_start3A_24, %dma_start3A_27] : memref<3x32x1x1024xf32, #tpu.memory_space<vmem>> -> memref<1x32x1x1024xf32, #tpu.memory_space<vmem>>
    %dma_start3A_29 = tpu.memref_squeeze %dma_start3A_28 : memref<1x32x1x1024xf32, #tpu.memory_space<vmem>> -> memref<32x1024xf32, #tpu.memory_space<vmem>>
    %dma_start3A_30 = arith.constant 0 : i32
    %dma_start3A_31 = tpu.memref_slice %arg2[%add3A_22, %dma_start3A_30] : memref<8192x1024xf32, #tpu.memory_space<hbm>> -> memref<32x1024xf32, #tpu.memory_space<hbm>>
    %dma_start3A_32 = tpu.memref_slice %arg5[%dma_start3A_25] : memref<3x!tpu.dma_semaphore, #tpu.memory_space<semaphore_mem>> -> memref<1x!tpu.dma_semaphore, #tpu.memory_space<semaphore_mem>>
    %dma_start3A_33 = tpu.memref_squeeze %dma_start3A_32 : memref<1x!tpu.dma_semaphore, #tpu.memory_space<semaphore_mem>> -> memref<!tpu.dma_semaphore, #tpu.memory_space<semaphore_mem>>
    %dma_start3A_34 = arith.constant 0 : i32
    %dma_start3A_35 = arith.constant 0 : i32
    %dma_start3A_36 = tpu.memref_slice %arg4[%dma_start3A_23, %dma_start3A_34, %dma_start3A_24, %dma_start3A_35] : memref<3x32x1x1024xf32, #tpu.memory_space<vmem>> -> memref<1x32x1x1024xf32, #tpu.memory_space<vmem>>
    %dma_start3A_37 = tpu.memref_squeeze %dma_start3A_36 : memref<1x32x1x1024xf32, #tpu.memory_space<vmem>> -> memref<32x1024xf32, #tpu.memory_space<vmem>>
    %dma_start3A_38 = arith.constant 0 : i32
    %dma_start3A_39 = tpu.memref_slice %arg2[%add3A_22, %dma_start3A_38] : memref<8192x1024xf32, #tpu.memory_space<hbm>> -> memref<32x1024xf32, #tpu.memory_space<hbm>>
    tpu.enqueue_dma source(%dma_start3A_39 : memref<32x1024xf32, #tpu.memory_space<hbm>>) target(%dma_start3A_37 : memref<32x1024xf32, #tpu.memory_space<vmem>>) target_semaphore(%dma_start3A_33 : memref<!tpu.dma_semaphore, #tpu.memory_space<semaphore_mem>>)
    %add3A_40 = arith.constant 64 : i32
    %add3A_41 = arith.addi %mul3A_2, %add3A_40 : i32
    %dma_start3A_42 = arith.constant 2 : i32
    %dma_start3A_43 = arith.constant 0 : i32
    %dma_start3A_44 = arith.constant 2 : i32
    %dma_start3A_45 = arith.constant 0 : i32
    %dma_start3A_46 = arith.constant 0 : i32
    %dma_start3A_47 = tpu.memref_slice %arg4[%dma_start3A_42, %dma_start3A_45, %dma_start3A_43, %dma_start3A_46] : memref<3x32x1x1024xf32, #tpu.memory_space<vmem>> -> memref<1x32x1x1024xf32, #tpu.memory_space<vmem>>
    %dma_start3A_48 = tpu.memref_squeeze %dma_start3A_47 : memref<1x32x1x1024xf32, #tpu.memory_space<vmem>> -> memref<32x1024xf32, #tpu.memory_space<vmem>>
    %dma_start3A_49 = arith.constant 0 : i32
    %dma_start3A_50 = tpu.memref_slice %arg2[%add3A_41, %dma_start3A_49] : memref<8192x1024xf32, #tpu.memory_space<hbm>> -> memref<32x1024xf32, #tpu.memory_space<hbm>>
    %dma_start3A_51 = tpu.memref_slice %arg5[%dma_start3A_44] : memref<3x!tpu.dma_semaphore, #tpu.memory_space<semaphore_mem>> -> memref<1x!tpu.dma_semaphore, #tpu.memory_space<semaphore_mem>>
    %dma_start3A_52 = tpu.memref_squeeze %dma_start3A_51 : memref<1x!tpu.dma_semaphore, #tpu.memory_space<semaphore_mem>> -> memref<!tpu.dma_semaphore, #tpu.memory_space<semaphore_mem>>
    %dma_start3A_53 = arith.constant 0 : i32
    %dma_start3A_54 = arith.constant 0 : i32
    %dma_start3A_55 = tpu.memref_slice %arg4[%dma_start3A_42, %dma_start3A_53, %dma_start3A_43, %dma_start3A_54] : memref<3x32x1x1024xf32, #tpu.memory_space<vmem>> -> memref<1x32x1x1024xf32, #tpu.memory_space<vmem>>
    %dma_start3A_56 = tpu.memref_squeeze %dma_start3A_55 : memref<1x32x1x1024xf32, #tpu.memory_space<vmem>> -> memref<32x1024xf32, #tpu.memory_space<vmem>>
    %dma_start3A_57 = arith.constant 0 : i32
    %dma_start3A_58 = tpu.memref_slice %arg2[%add3A_41, %dma_start3A_57] : memref<8192x1024xf32, #tpu.memory_space<hbm>> -> memref<32x1024xf32, #tpu.memory_space<hbm>>
    tpu.enqueue_dma source(%dma_start3A_58 : memref<32x1024xf32, #tpu.memory_space<hbm>>) target(%dma_start3A_56 : memref<32x1024xf32, #tpu.memory_space<vmem>>) target_semaphore(%dma_start3A_52 : memref<!tpu.dma_semaphore, #tpu.memory_space<semaphore_mem>>)
    %dma_wait3A = arith.constant 0 : i32
    %dma_wait3A_59 = arith.constant 0 : i32
    %dma_wait3A_60 = arith.constant 0 : i32
    %dma_wait3A_61 = arith.constant 0 : i32
    %dma_wait3A_62 = arith.constant 0 : i32
    %dma_wait3A_63 = tpu.memref_slice %arg4[%dma_wait3A, %dma_wait3A_61, %dma_wait3A_59, %dma_wait3A_62] : memref<3x32x1x1024xf32, #tpu.memory_space<vmem>> -> memref<1x32x1x1024xf32, #tpu.memory_space<vmem>>
    %dma_wait3A_64 = tpu.memref_squeeze %dma_wait3A_63 : memref<1x32x1x1024xf32, #tpu.memory_space<vmem>> -> memref<32x1024xf32, #tpu.memory_space<vmem>>
    %dma_wait3A_65 = arith.constant 0 : i32
    %dma_wait3A_66 = tpu.memref_slice %arg2[%add3A_4, %dma_wait3A_65] : memref<8192x1024xf32, #tpu.memory_space<hbm>> -> memref<32x1024xf32, #tpu.memory_space<hbm>>
    %dma_wait3A_67 = tpu.memref_slice %arg5[%dma_wait3A_60] : memref<3x!tpu.dma_semaphore, #tpu.memory_space<semaphore_mem>> -> memref<1x!tpu.dma_semaphore, #tpu.memory_space<semaphore_mem>>
    %dma_wait3A_68 = tpu.memref_squeeze %dma_wait3A_67 : memref<1x!tpu.dma_semaphore, #tpu.memory_space<semaphore_mem>> -> memref<!tpu.dma_semaphore, #tpu.memory_space<semaphore_mem>>
    %dma_wait3A_69 = arith.constant 0 : i32
    %dma_wait3A_70 = arith.constant 0 : i32
    %dma_wait3A_71 = tpu.memref_slice %arg4[%dma_wait3A, %dma_wait3A_69, %dma_wait3A_59, %dma_wait3A_70] : memref<3x32x1x1024xf32, #tpu.memory_space<vmem>> -> memref<1x32x1x1024xf32, #tpu.memory_space<vmem>>
    %dma_wait3A_72 = tpu.memref_squeeze %dma_wait3A_71 : memref<1x32x1x1024xf32, #tpu.memory_space<vmem>> -> memref<32x1024xf32, #tpu.memory_space<vmem>>
    %dma_wait3A_73 = arith.constant 0 : i32
    %dma_wait3A_74 = tpu.memref_slice %arg2[%add3A_4, %dma_wait3A_73] : memref<8192x1024xf32, #tpu.memory_space<hbm>> -> memref<32x1024xf32, #tpu.memory_space<hbm>>
    tpu.wait_dma2 semaphore(%dma_wait3A_68 : memref<!tpu.dma_semaphore, #tpu.memory_space<semaphore_mem>>) src(%dma_wait3A_74 : memref<32x1024xf32, #tpu.memory_space<hbm>>) dst(%dma_wait3A_72 : memref<32x1024xf32, #tpu.memory_space<vmem>>)
    %add3A_75 = arith.constant 0 : i32
    %add3A_76 = arith.addi %mul3A_2, %add3A_75 : i32
    %dma_start3A_77 = arith.constant 0 : i32
    %dma_start3A_78 = arith.constant 0 : i32
    %dma_start3A_79 = arith.constant 0 : i32
    %dma_start3A_80 = arith.constant 0 : i32
    %dma_start3A_81 = arith.constant 0 : i32
    %dma_start3A_82 = tpu.memref_slice %arg4[%dma_start3A_77, %dma_start3A_79, %dma_start3A_80, %dma_start3A_81] : memref<3x32x1x1024xf32, #tpu.memory_space<vmem>> -> memref<1x32x1x1024xf32, #tpu.memory_space<vmem>>
    %dma_start3A_83 = tpu.memref_squeeze %dma_start3A_82 : memref<1x32x1x1024xf32, #tpu.memory_space<vmem>> -> memref<32x1x1024xf32, #tpu.memory_space<vmem>>
    %dma_start3A_84 = arith.constant 0 : i32
    %dma_start3A_85 = arith.constant 0 : i32
    %dma_start3A_86 = tpu.memref_slice %arg3[%add3A_76, %dma_start3A_84, %dma_start3A_85] : memref<4096x1x1024xf32, #tpu.memory_space<hbm>> -> memref<32x1x1024xf32, #tpu.memory_space<hbm>>
    %dma_start3A_87 = tpu.memref_slice %arg6[%dma_start3A_78] : memref<3x!tpu.dma_semaphore, #tpu.memory_space<semaphore_mem>> -> memref<1x!tpu.dma_semaphore, #tpu.memory_space<semaphore_mem>>
    %dma_start3A_88 = tpu.memref_squeeze %dma_start3A_87 : memref<1x!tpu.dma_semaphore, #tpu.memory_space<semaphore_mem>> -> memref<!tpu.dma_semaphore, #tpu.memory_space<semaphore_mem>>
    %dma_start3A_89 = arith.constant 0 : i32
    %dma_start3A_90 = arith.constant 0 : i32
    %dma_start3A_91 = tpu.memref_slice %arg3[%add3A_76, %dma_start3A_89, %dma_start3A_90] : memref<4096x1x1024xf32, #tpu.memory_space<hbm>> -> memref<32x1x1024xf32, #tpu.memory_space<hbm>>
    %dma_start3A_92 = arith.constant 0 : i32
    %dma_start3A_93 = arith.constant 0 : i32
    %dma_start3A_94 = arith.constant 0 : i32
    %dma_start3A_95 = tpu.memref_slice %arg4[%dma_start3A_77, %dma_start3A_92, %dma_start3A_93, %dma_start3A_94] : memref<3x32x1x1024xf32, #tpu.memory_space<vmem>> -> memref<1x32x1x1024xf32, #tpu.memory_space<vmem>>
    %dma_start3A_96 = tpu.memref_squeeze %dma_start3A_95 : memref<1x32x1x1024xf32, #tpu.memory_space<vmem>> -> memref<32x1x1024xf32, #tpu.memory_space<vmem>>
    tpu.enqueue_dma source(%dma_start3A_96 : memref<32x1x1024xf32, #tpu.memory_space<vmem>>) target(%dma_start3A_91 : memref<32x1x1024xf32, #tpu.memory_space<hbm>>) target_semaphore(%dma_start3A_88 : memref<!tpu.dma_semaphore, #tpu.memory_space<semaphore_mem>>)
    %dma_wait3A_97 = arith.constant 0 : i32
    %dma_wait3A_98 = arith.constant 0 : i32
    %dma_wait3A_99 = arith.constant 0 : i32
    %dma_wait3A_100 = arith.constant 0 : i32
    %dma_wait3A_101 = arith.constant 0 : i32
    %dma_wait3A_102 = tpu.memref_slice %arg4[%dma_wait3A_97, %dma_wait3A_99, %dma_wait3A_100, %dma_wait3A_101] : memref<3x32x1x1024xf32, #tpu.memory_space<vmem>> -> memref<1x32x1x1024xf32, #tpu.memory_space<vmem>>
    %dma_wait3A_103 = tpu.memref_squeeze %dma_wait3A_102 : memref<1x32x1x1024xf32, #tpu.memory_space<vmem>> -> memref<32x1x1024xf32, #tpu.memory_space<vmem>>
    %dma_wait3A_104 = arith.constant 0 : i32
    %dma_wait3A_105 = arith.constant 0 : i32
    %dma_wait3A_106 = tpu.memref_slice %arg3[%add3A_76, %dma_wait3A_104, %dma_wait3A_105] : memref<4096x1x1024xf32, #tpu.memory_space<hbm>> -> memref<32x1x1024xf32, #tpu.memory_space<hbm>>
    %dma_wait3A_107 = tpu.memref_slice %arg6[%dma_wait3A_98] : memref<3x!tpu.dma_semaphore, #tpu.memory_space<semaphore_mem>> -> memref<1x!tpu.dma_semaphore, #tpu.memory_space<semaphore_mem>>
    %dma_wait3A_108 = tpu.memref_squeeze %dma_wait3A_107 : memref<1x!tpu.dma_semaphore, #tpu.memory_space<semaphore_mem>> -> memref<!tpu.dma_semaphore, #tpu.memory_space<semaphore_mem>>
    %dma_wait3A_109 = arith.constant 0 : i32
    %dma_wait3A_110 = arith.constant 0 : i32
    %dma_wait3A_111 = tpu.memref_slice %arg3[%add3A_76, %dma_wait3A_109, %dma_wait3A_110] : memref<4096x1x1024xf32, #tpu.memory_space<hbm>> -> memref<32x1x1024xf32, #tpu.memory_space<hbm>>
    %dma_wait3A_112 = arith.constant 0 : i32
    %dma_wait3A_113 = arith.constant 0 : i32
    %dma_wait3A_114 = arith.constant 0 : i32
    %dma_wait3A_115 = tpu.memref_slice %arg4[%dma_wait3A_97, %dma_wait3A_112, %dma_wait3A_113, %dma_wait3A_114] : memref<3x32x1x1024xf32, #tpu.memory_space<vmem>> -> memref<1x32x1x1024xf32, #tpu.memory_space<vmem>>
    %dma_wait3A_116 = tpu.memref_squeeze %dma_wait3A_115 : memref<1x32x1x1024xf32, #tpu.memory_space<vmem>> -> memref<32x1x1024xf32, #tpu.memory_space<vmem>>
    tpu.wait_dma2 semaphore(%dma_wait3A_108 : memref<!tpu.dma_semaphore, #tpu.memory_space<semaphore_mem>>) src(%dma_wait3A_116 : memref<32x1x1024xf32, #tpu.memory_space<vmem>>) dst(%dma_wait3A_111 : memref<32x1x1024xf32, #tpu.memory_space<hbm>>)
    %add3A_117 = arith.constant 96 : i32
    %add3A_118 = arith.addi %mul3A_2, %add3A_117 : i32
    %dma_start3A_119 = arith.constant 0 : i32
    %dma_start3A_120 = arith.constant 0 : i32
    %dma_start3A_121 = arith.constant 0 : i32
    %dma_start3A_122 = arith.constant 0 : i32
    %dma_start3A_123 = arith.constant 0 : i32
    %dma_start3A_124 = tpu.memref_slice %arg4[%dma_start3A_119, %dma_start3A_122, %dma_start3A_120, %dma_start3A_123] : memref<3x32x1x1024xf32, #tpu.memory_space<vmem>> -> memref<1x32x1x1024xf32, #tpu.memory_space<vmem>>
    %dma_start3A_125 = tpu.memref_squeeze %dma_start3A_124 : memref<1x32x1x1024xf32, #tpu.memory_space<vmem>> -> memref<32x1024xf32, #tpu.memory_space<vmem>>
    %dma_start3A_126 = arith.constant 0 : i32
    %dma_start3A_127 = tpu.memref_slice %arg2[%add3A_118, %dma_start3A_126] : memref<8192x1024xf32, #tpu.memory_space<hbm>> -> memref<32x1024xf32, #tpu.memory_space<hbm>>
    %dma_start3A_128 = tpu.memref_slice %arg5[%dma_start3A_121] : memref<3x!tpu.dma_semaphore, #tpu.memory_space<semaphore_mem>> -> memref<1x!tpu.dma_semaphore, #tpu.memory_space<semaphore_mem>>
    %dma_start3A_129 = tpu.memref_squeeze %dma_start3A_128 : memref<1x!tpu.dma_semaphore, #tpu.memory_space<semaphore_mem>> -> memref<!tpu.dma_semaphore, #tpu.memory_space<semaphore_mem>>
    %dma_start3A_130 = arith.constant 0 : i32
    %dma_start3A_131 = arith.constant 0 : i32
    %dma_start3A_132 = tpu.memref_slice %arg4[%dma_start3A_119, %dma_start3A_130, %dma_start3A_120, %dma_start3A_131] : memref<3x32x1x1024xf32, #tpu.memory_space<vmem>> -> memref<1x32x1x1024xf32, #tpu.memory_space<vmem>>
    %dma_start3A_133 = tpu.memref_squeeze %dma_start3A_132 : memref<1x32x1x1024xf32, #tpu.memory_space<vmem>> -> memref<32x1024xf32, #tpu.memory_space<vmem>>
    %dma_start3A_134 = arith.constant 0 : i32
    %dma_start3A_135 = tpu.memref_slice %arg2[%add3A_118, %dma_start3A_134] : memref<8192x1024xf32, #tpu.memory_space<hbm>> -> memref<32x1024xf32, #tpu.memory_space<hbm>>
    tpu.enqueue_dma source(%dma_start3A_135 : memref<32x1024xf32, #tpu.memory_space<hbm>>) target(%dma_start3A_133 : memref<32x1024xf32, #tpu.memory_space<vmem>>) target_semaphore(%dma_start3A_129 : memref<!tpu.dma_semaphore, #tpu.memory_space<semaphore_mem>>)
    %dma_wait3A_136 = arith.constant 1 : i32
    %dma_wait3A_137 = arith.constant 0 : i32
    %dma_wait3A_138 = arith.constant 1 : i32
    %dma_wait3A_139 = arith.constant 0 : i32
    %dma_wait3A_140 = arith.constant 0 : i32
    %dma_wait3A_141 = tpu.memref_slice %arg4[%dma_wait3A_136, %dma_wait3A_139, %dma_wait3A_137, %dma_wait3A_140] : memref<3x32x1x1024xf32, #tpu.memory_space<vmem>> -> memref<1x32x1x1024xf32, #tpu.memory_space<vmem>>
    %dma_wait3A_142 = tpu.memref_squeeze %dma_wait3A_141 : memref<1x32x1x1024xf32, #tpu.memory_space<vmem>> -> memref<32x1024xf32, #tpu.memory_space<vmem>>
    %dma_wait3A_143 = arith.constant 0 : i32
    %dma_wait3A_144 = tpu.memref_slice %arg2[%add3A_22, %dma_wait3A_143] : memref<8192x1024xf32, #tpu.memory_space<hbm>> -> memref<32x1024xf32, #tpu.memory_space<hbm>>
    %dma_wait3A_145 = tpu.memref_slice %arg5[%dma_wait3A_138] : memref<3x!tpu.dma_semaphore, #tpu.memory_space<semaphore_mem>> -> memref<1x!tpu.dma_semaphore, #tpu.memory_space<semaphore_mem>>
    %dma_wait3A_146 = tpu.memref_squeeze %dma_wait3A_145 : memref<1x!tpu.dma_semaphore, #tpu.memory_space<semaphore_mem>> -> memref<!tpu.dma_semaphore, #tpu.memory_space<semaphore_mem>>
    %dma_wait3A_147 = arith.constant 0 : i32
    %dma_wait3A_148 = arith.constant 0 : i32
    %dma_wait3A_149 = tpu.memref_slice %arg4[%dma_wait3A_136, %dma_wait3A_147, %dma_wait3A_137, %dma_wait3A_148] : memref<3x32x1x1024xf32, #tpu.memory_space<vmem>> -> memref<1x32x1x1024xf32, #tpu.memory_space<vmem>>
    %dma_wait3A_150 = tpu.memref_squeeze %dma_wait3A_149 : memref<1x32x1x1024xf32, #tpu.memory_space<vmem>> -> memref<32x1024xf32, #tpu.memory_space<vmem>>
    %dma_wait3A_151 = arith.constant 0 : i32
    %dma_wait3A_152 = tpu.memref_slice %arg2[%add3A_22, %dma_wait3A_151] : memref<8192x1024xf32, #tpu.memory_space<hbm>> -> memref<32x1024xf32, #tpu.memory_space<hbm>>
    tpu.wait_dma2 semaphore(%dma_wait3A_146 : memref<!tpu.dma_semaphore, #tpu.memory_space<semaphore_mem>>) src(%dma_wait3A_152 : memref<32x1024xf32, #tpu.memory_space<hbm>>) dst(%dma_wait3A_150 : memref<32x1024xf32, #tpu.memory_space<vmem>>)
    %add3A_153 = arith.constant 32 : i32
    %add3A_154 = arith.addi %mul3A_2, %add3A_153 : i32
    %dma_start3A_155 = arith.constant 1 : i32
    %dma_start3A_156 = arith.constant 1 : i32
    %dma_start3A_157 = arith.constant 0 : i32
    %dma_start3A_158 = arith.constant 0 : i32
    %dma_start3A_159 = arith.constant 0 : i32
    %dma_start3A_160 = tpu.memref_slice %arg4[%dma_start3A_155, %dma_start3A_157, %dma_start3A_158, %dma_start3A_159] : memref<3x32x1x1024xf32, #tpu.memory_space<vmem>> -> memref<1x32x1x1024xf32, #tpu.memory_space<vmem>>
    %dma_start3A_161 = tpu.memref_squeeze %dma_start3A_160 : memref<1x32x1x1024xf32, #tpu.memory_space<vmem>> -> memref<32x1x1024xf32, #tpu.memory_space<vmem>>
    %dma_start3A_162 = arith.constant 0 : i32
    %dma_start3A_163 = arith.constant 0 : i32
    %dma_start3A_164 = tpu.memref_slice %arg3[%add3A_154, %dma_start3A_162, %dma_start3A_163] : memref<4096x1x1024xf32, #tpu.memory_space<hbm>> -> memref<32x1x1024xf32, #tpu.memory_space<hbm>>
    %dma_start3A_165 = tpu.memref_slice %arg6[%dma_start3A_156] : memref<3x!tpu.dma_semaphore, #tpu.memory_space<semaphore_mem>> -> memref<1x!tpu.dma_semaphore, #tpu.memory_space<semaphore_mem>>
    %dma_start3A_166 = tpu.memref_squeeze %dma_start3A_165 : memref<1x!tpu.dma_semaphore, #tpu.memory_space<semaphore_mem>> -> memref<!tpu.dma_semaphore, #tpu.memory_space<semaphore_mem>>
    %dma_start3A_167 = arith.constant 0 : i32
    %dma_start3A_168 = arith.constant 0 : i32
    %dma_start3A_169 = tpu.memref_slice %arg3[%add3A_154, %dma_start3A_167, %dma_start3A_168] : memref<4096x1x1024xf32, #tpu.memory_space<hbm>> -> memref<32x1x1024xf32, #tpu.memory_space<hbm>>
    %dma_start3A_170 = arith.constant 0 : i32
    %dma_start3A_171 = arith.constant 0 : i32
    %dma_start3A_172 = arith.constant 0 : i32
    %dma_start3A_173 = tpu.memref_slice %arg4[%dma_start3A_155, %dma_start3A_170, %dma_start3A_171, %dma_start3A_172] : memref<3x32x1x1024xf32, #tpu.memory_space<vmem>> -> memref<1x32x1x1024xf32, #tpu.memory_space<vmem>>
    %dma_start3A_174 = tpu.memref_squeeze %dma_start3A_173 : memref<1x32x1x1024xf32, #tpu.memory_space<vmem>> -> memref<32x1x1024xf32, #tpu.memory_space<vmem>>
    tpu.enqueue_dma source(%dma_start3A_174 : memref<32x1x1024xf32, #tpu.memory_space<vmem>>) target(%dma_start3A_169 : memref<32x1x1024xf32, #tpu.memory_space<hbm>>) target_semaphore(%dma_start3A_166 : memref<!tpu.dma_semaphore, #tpu.memory_space<semaphore_mem>>)
    %dma_wait3A_175 = arith.constant 2 : i32
    %dma_wait3A_176 = arith.constant 0 : i32
    %dma_wait3A_177 = arith.constant 2 : i32
    %dma_wait3A_178 = arith.constant 0 : i32
    %dma_wait3A_179 = arith.constant 0 : i32
    %dma_wait3A_180 = tpu.memref_slice %arg4[%dma_wait3A_175, %dma_wait3A_178, %dma_wait3A_176, %dma_wait3A_179] : memref<3x32x1x1024xf32, #tpu.memory_space<vmem>> -> memref<1x32x1x1024xf32, #tpu.memory_space<vmem>>
    %dma_wait3A_181 = tpu.memref_squeeze %dma_wait3A_180 : memref<1x32x1x1024xf32, #tpu.memory_space<vmem>> -> memref<32x1024xf32, #tpu.memory_space<vmem>>
    %dma_wait3A_182 = arith.constant 0 : i32
    %dma_wait3A_183 = tpu.memref_slice %arg2[%add3A_41, %dma_wait3A_182] : memref<8192x1024xf32, #tpu.memory_space<hbm>> -> memref<32x1024xf32, #tpu.memory_space<hbm>>
    %dma_wait3A_184 = tpu.memref_slice %arg5[%dma_wait3A_177] : memref<3x!tpu.dma_semaphore, #tpu.memory_space<semaphore_mem>> -> memref<1x!tpu.dma_semaphore, #tpu.memory_space<semaphore_mem>>
    %dma_wait3A_185 = tpu.memref_squeeze %dma_wait3A_184 : memref<1x!tpu.dma_semaphore, #tpu.memory_space<semaphore_mem>> -> memref<!tpu.dma_semaphore, #tpu.memory_space<semaphore_mem>>
    %dma_wait3A_186 = arith.constant 0 : i32
    %dma_wait3A_187 = arith.constant 0 : i32
    %dma_wait3A_188 = tpu.memref_slice %arg4[%dma_wait3A_175, %dma_wait3A_186, %dma_wait3A_176, %dma_wait3A_187] : memref<3x32x1x1024xf32, #tpu.memory_space<vmem>> -> memref<1x32x1x1024xf32, #tpu.memory_space<vmem>>
    %dma_wait3A_189 = tpu.memref_squeeze %dma_wait3A_188 : memref<1x32x1x1024xf32, #tpu.memory_space<vmem>> -> memref<32x1024xf32, #tpu.memory_space<vmem>>
    %dma_wait3A_190 = arith.constant 0 : i32
    %dma_wait3A_191 = tpu.memref_slice %arg2[%add3A_41, %dma_wait3A_190] : memref<8192x1024xf32, #tpu.memory_space<hbm>> -> memref<32x1024xf32, #tpu.memory_space<hbm>>
    tpu.wait_dma2 semaphore(%dma_wait3A_185 : memref<!tpu.dma_semaphore, #tpu.memory_space<semaphore_mem>>) src(%dma_wait3A_191 : memref<32x1024xf32, #tpu.memory_space<hbm>>) dst(%dma_wait3A_189 : memref<32x1024xf32, #tpu.memory_space<vmem>>)
    %add3A_192 = arith.constant 64 : i32
    %add3A_193 = arith.addi %mul3A_2, %add3A_192 : i32
    %dma_start3A_194 = arith.constant 2 : i32
    %dma_start3A_195 = arith.constant 2 : i32
    %dma_start3A_196 = arith.constant 0 : i32
    %dma_start3A_197 = arith.constant 0 : i32
    %dma_start3A_198 = arith.constant 0 : i32
    %dma_start3A_199 = tpu.memref_slice %arg4[%dma_start3A_194, %dma_start3A_196, %dma_start3A_197, %dma_start3A_198] : memref<3x32x1x1024xf32, #tpu.memory_space<vmem>> -> memref<1x32x1x1024xf32, #tpu.memory_space<vmem>>
    %dma_start3A_200 = tpu.memref_squeeze %dma_start3A_199 : memref<1x32x1x1024xf32, #tpu.memory_space<vmem>> -> memref<32x1x1024xf32, #tpu.memory_space<vmem>>
    %dma_start3A_201 = arith.constant 0 : i32
    %dma_start3A_202 = arith.constant 0 : i32
    %dma_start3A_203 = tpu.memref_slice %arg3[%add3A_193, %dma_start3A_201, %dma_start3A_202] : memref<4096x1x1024xf32, #tpu.memory_space<hbm>> -> memref<32x1x1024xf32, #tpu.memory_space<hbm>>
    %dma_start3A_204 = tpu.memref_slice %arg6[%dma_start3A_195] : memref<3x!tpu.dma_semaphore, #tpu.memory_space<semaphore_mem>> -> memref<1x!tpu.dma_semaphore, #tpu.memory_space<semaphore_mem>>
    %dma_start3A_205 = tpu.memref_squeeze %dma_start3A_204 : memref<1x!tpu.dma_semaphore, #tpu.memory_space<semaphore_mem>> -> memref<!tpu.dma_semaphore, #tpu.memory_space<semaphore_mem>>
    %dma_start3A_206 = arith.constant 0 : i32
    %dma_start3A_207 = arith.constant 0 : i32
    %dma_start3A_208 = tpu.memref_slice %arg3[%add3A_193, %dma_start3A_206, %dma_start3A_207] : memref<4096x1x1024xf32, #tpu.memory_space<hbm>> -> memref<32x1x1024xf32, #tpu.memory_space<hbm>>
    %dma_start3A_209 = arith.constant 0 : i32
    %dma_start3A_210 = arith.constant 0 : i32
    %dma_start3A_211 = arith.constant 0 : i32
    %dma_start3A_212 = tpu.memref_slice %arg4[%dma_start3A_194, %dma_start3A_209, %dma_start3A_210, %dma_start3A_211] : memref<3x32x1x1024xf32, #tpu.memory_space<vmem>> -> memref<1x32x1x1024xf32, #tpu.memory_space<vmem>>
    %dma_start3A_213 = tpu.memref_squeeze %dma_start3A_212 : memref<1x32x1x1024xf32, #tpu.memory_space<vmem>> -> memref<32x1x1024xf32, #tpu.memory_space<vmem>>
    tpu.enqueue_dma source(%dma_start3A_213 : memref<32x1x1024xf32, #tpu.memory_space<vmem>>) target(%dma_start3A_208 : memref<32x1x1024xf32, #tpu.memory_space<hbm>>) target_semaphore(%dma_start3A_205 : memref<!tpu.dma_semaphore, #tpu.memory_space<semaphore_mem>>)
    %dma_wait3A_214 = arith.constant 0 : i32
    %dma_wait3A_215 = arith.constant 0 : i32
    %dma_wait3A_216 = arith.constant 0 : i32
    %dma_wait3A_217 = arith.constant 0 : i32
    %dma_wait3A_218 = arith.constant 0 : i32
    %dma_wait3A_219 = tpu.memref_slice %arg4[%dma_wait3A_214, %dma_wait3A_217, %dma_wait3A_215, %dma_wait3A_218] : memref<3x32x1x1024xf32, #tpu.memory_space<vmem>> -> memref<1x32x1x1024xf32, #tpu.memory_space<vmem>>
    %dma_wait3A_220 = tpu.memref_squeeze %dma_wait3A_219 : memref<1x32x1x1024xf32, #tpu.memory_space<vmem>> -> memref<32x1024xf32, #tpu.memory_space<vmem>>
    %dma_wait3A_221 = arith.constant 0 : i32
    %dma_wait3A_222 = tpu.memref_slice %arg2[%add3A_118, %dma_wait3A_221] : memref<8192x1024xf32, #tpu.memory_space<hbm>> -> memref<32x1024xf32, #tpu.memory_space<hbm>>
    %dma_wait3A_223 = tpu.memref_slice %arg5[%dma_wait3A_216] : memref<3x!tpu.dma_semaphore, #tpu.memory_space<semaphore_mem>> -> memref<1x!tpu.dma_semaphore, #tpu.memory_space<semaphore_mem>>
    %dma_wait3A_224 = tpu.memref_squeeze %dma_wait3A_223 : memref<1x!tpu.dma_semaphore, #tpu.memory_space<semaphore_mem>> -> memref<!tpu.dma_semaphore, #tpu.memory_space<semaphore_mem>>
    %dma_wait3A_225 = arith.constant 0 : i32
    %dma_wait3A_226 = arith.constant 0 : i32
    %dma_wait3A_227 = tpu.memref_slice %arg4[%dma_wait3A_214, %dma_wait3A_225, %dma_wait3A_215, %dma_wait3A_226] : memref<3x32x1x1024xf32, #tpu.memory_space<vmem>> -> memref<1x32x1x1024xf32, #tpu.memory_space<vmem>>
    %dma_wait3A_228 = tpu.memref_squeeze %dma_wait3A_227 : memref<1x32x1x1024xf32, #tpu.memory_space<vmem>> -> memref<32x1024xf32, #tpu.memory_space<vmem>>
    %dma_wait3A_229 = arith.constant 0 : i32
    %dma_wait3A_230 = tpu.memref_slice %arg2[%add3A_118, %dma_wait3A_229] : memref<8192x1024xf32, #tpu.memory_space<hbm>> -> memref<32x1024xf32, #tpu.memory_space<hbm>>
    tpu.wait_dma2 semaphore(%dma_wait3A_224 : memref<!tpu.dma_semaphore, #tpu.memory_space<semaphore_mem>>) src(%dma_wait3A_230 : memref<32x1024xf32, #tpu.memory_space<hbm>>) dst(%dma_wait3A_228 : memref<32x1024xf32, #tpu.memory_space<vmem>>)
    %add3A_231 = arith.constant 96 : i32
    %add3A_232 = arith.addi %mul3A_2, %add3A_231 : i32
    %dma_start3A_233 = arith.constant 0 : i32
    %dma_start3A_234 = arith.constant 0 : i32
    %dma_start3A_235 = arith.constant 0 : i32
    %dma_start3A_236 = arith.constant 0 : i32
    %dma_start3A_237 = arith.constant 0 : i32
    %dma_start3A_238 = tpu.memref_slice %arg4[%dma_start3A_233, %dma_start3A_235, %dma_start3A_236, %dma_start3A_237] : memref<3x32x1x1024xf32, #tpu.memory_space<vmem>> -> memref<1x32x1x1024xf32, #tpu.memory_space<vmem>>
    %dma_start3A_239 = tpu.memref_squeeze %dma_start3A_238 : memref<1x32x1x1024xf32, #tpu.memory_space<vmem>> -> memref<32x1x1024xf32, #tpu.memory_space<vmem>>
    %dma_start3A_240 = arith.constant 0 : i32
    %dma_start3A_241 = arith.constant 0 : i32
    %dma_start3A_242 = tpu.memref_slice %arg3[%add3A_232, %dma_start3A_240, %dma_start3A_241] : memref<4096x1x1024xf32, #tpu.memory_space<hbm>> -> memref<32x1x1024xf32, #tpu.memory_space<hbm>>
    %dma_start3A_243 = tpu.memref_slice %arg6[%dma_start3A_234] : memref<3x!tpu.dma_semaphore, #tpu.memory_space<semaphore_mem>> -> memref<1x!tpu.dma_semaphore, #tpu.memory_space<semaphore_mem>>
    %dma_start3A_244 = tpu.memref_squeeze %dma_start3A_243 : memref<1x!tpu.dma_semaphore, #tpu.memory_space<semaphore_mem>> -> memref<!tpu.dma_semaphore, #tpu.memory_space<semaphore_mem>>
    %dma_start3A_245 = arith.constant 0 : i32
    %dma_start3A_246 = arith.constant 0 : i32
    %dma_start3A_247 = tpu.memref_slice %arg3[%add3A_232, %dma_start3A_245, %dma_start3A_246] : memref<4096x1x1024xf32, #tpu.memory_space<hbm>> -> memref<32x1x1024xf32, #tpu.memory_space<hbm>>
    %dma_start3A_248 = arith.constant 0 : i32
    %dma_start3A_249 = arith.constant 0 : i32
    %dma_start3A_250 = arith.constant 0 : i32
    %dma_start3A_251 = tpu.memref_slice %arg4[%dma_start3A_233, %dma_start3A_248, %dma_start3A_249, %dma_start3A_250] : memref<3x32x1x1024xf32, #tpu.memory_space<vmem>> -> memref<1x32x1x1024xf32, #tpu.memory_space<vmem>>
    %dma_start3A_252 = tpu.memref_squeeze %dma_start3A_251 : memref<1x32x1x1024xf32, #tpu.memory_space<vmem>> -> memref<32x1x1024xf32, #tpu.memory_space<vmem>>
    tpu.enqueue_dma source(%dma_start3A_252 : memref<32x1x1024xf32, #tpu.memory_space<vmem>>) target(%dma_start3A_247 : memref<32x1x1024xf32, #tpu.memory_space<hbm>>) target_semaphore(%dma_start3A_244 : memref<!tpu.dma_semaphore, #tpu.memory_space<semaphore_mem>>)
    %dma_wait3A_253 = arith.constant 1 : i32
    %dma_wait3A_254 = arith.constant 1 : i32
    %dma_wait3A_255 = arith.constant 0 : i32
    %dma_wait3A_256 = arith.constant 0 : i32
    %dma_wait3A_257 = arith.constant 0 : i32
    %dma_wait3A_258 = tpu.memref_slice %arg4[%dma_wait3A_253, %dma_wait3A_255, %dma_wait3A_256, %dma_wait3A_257] : memref<3x32x1x1024xf32, #tpu.memory_space<vmem>> -> memref<1x32x1x1024xf32, #tpu.memory_space<vmem>>
    %dma_wait3A_259 = tpu.memref_squeeze %dma_wait3A_258 : memref<1x32x1x1024xf32, #tpu.memory_space<vmem>> -> memref<32x1x1024xf32, #tpu.memory_space<vmem>>
    %dma_wait3A_260 = arith.constant 0 : i32
    %dma_wait3A_261 = arith.constant 0 : i32
    %dma_wait3A_262 = tpu.memref_slice %arg3[%add3A_154, %dma_wait3A_260, %dma_wait3A_261] : memref<4096x1x1024xf32, #tpu.memory_space<hbm>> -> memref<32x1x1024xf32, #tpu.memory_space<hbm>>
    %dma_wait3A_263 = tpu.memref_slice %arg6[%dma_wait3A_254] : memref<3x!tpu.dma_semaphore, #tpu.memory_space<semaphore_mem>> -> memref<1x!tpu.dma_semaphore, #tpu.memory_space<semaphore_mem>>
    %dma_wait3A_264 = tpu.memref_squeeze %dma_wait3A_263 : memref<1x!tpu.dma_semaphore, #tpu.memory_space<semaphore_mem>> -> memref<!tpu.dma_semaphore, #tpu.memory_space<semaphore_mem>>
    %dma_wait3A_265 = arith.constant 0 : i32
    %dma_wait3A_266 = arith.constant 0 : i32
    %dma_wait3A_267 = tpu.memref_slice %arg3[%add3A_154, %dma_wait3A_265, %dma_wait3A_266] : memref<4096x1x1024xf32, #tpu.memory_space<hbm>> -> memref<32x1x1024xf32, #tpu.memory_space<hbm>>
    %dma_wait3A_268 = arith.constant 0 : i32
    %dma_wait3A_269 = arith.constant 0 : i32
    %dma_wait3A_270 = arith.constant 0 : i32
    %dma_wait3A_271 = tpu.memref_slice %arg4[%dma_wait3A_253, %dma_wait3A_268, %dma_wait3A_269, %dma_wait3A_270] : memref<3x32x1x1024xf32, #tpu.memory_space<vmem>> -> memref<1x32x1x1024xf32, #tpu.memory_space<vmem>>
    %dma_wait3A_272 = tpu.memref_squeeze %dma_wait3A_271 : memref<1x32x1x1024xf32, #tpu.memory_space<vmem>> -> memref<32x1x1024xf32, #tpu.memory_space<vmem>>
    tpu.wait_dma2 semaphore(%dma_wait3A_264 : memref<!tpu.dma_semaphore, #tpu.memory_space<semaphore_mem>>) src(%dma_wait3A_272 : memref<32x1x1024xf32, #tpu.memory_space<vmem>>) dst(%dma_wait3A_267 : memref<32x1x1024xf32, #tpu.memory_space<hbm>>)
    %dma_wait3A_273 = arith.constant 2 : i32
    %dma_wait3A_274 = arith.constant 2 : i32
    %dma_wait3A_275 = arith.constant 0 : i32
    %dma_wait3A_276 = arith.constant 0 : i32
    %dma_wait3A_277 = arith.constant 0 : i32
    %dma_wait3A_278 = tpu.memref_slice %arg4[%dma_wait3A_273, %dma_wait3A_275, %dma_wait3A_276, %dma_wait3A_277] : memref<3x32x1x1024xf32, #tpu.memory_space<vmem>> -> memref<1x32x1x1024xf32, #tpu.memory_space<vmem>>
    %dma_wait3A_279 = tpu.memref_squeeze %dma_wait3A_278 : memref<1x32x1x1024xf32, #tpu.memory_space<vmem>> -> memref<32x1x1024xf32, #tpu.memory_space<vmem>>
    %dma_wait3A_280 = arith.constant 0 : i32
    %dma_wait3A_281 = arith.constant 0 : i32
    %dma_wait3A_282 = tpu.memref_slice %arg3[%add3A_193, %dma_wait3A_280, %dma_wait3A_281] : memref<4096x1x1024xf32, #tpu.memory_space<hbm>> -> memref<32x1x1024xf32, #tpu.memory_space<hbm>>
    %dma_wait3A_283 = tpu.memref_slice %arg6[%dma_wait3A_274] : memref<3x!tpu.dma_semaphore, #tpu.memory_space<semaphore_mem>> -> memref<1x!tpu.dma_semaphore, #tpu.memory_space<semaphore_mem>>
    %dma_wait3A_284 = tpu.memref_squeeze %dma_wait3A_283 : memref<1x!tpu.dma_semaphore, #tpu.memory_space<semaphore_mem>> -> memref<!tpu.dma_semaphore, #tpu.memory_space<semaphore_mem>>
    %dma_wait3A_285 = arith.constant 0 : i32
    %dma_wait3A_286 = arith.constant 0 : i32
    %dma_wait3A_287 = tpu.memref_slice %arg3[%add3A_193, %dma_wait3A_285, %dma_wait3A_286] : memref<4096x1x1024xf32, #tpu.memory_space<hbm>> -> memref<32x1x1024xf32, #tpu.memory_space<hbm>>
    %dma_wait3A_288 = arith.constant 0 : i32
    %dma_wait3A_289 = arith.constant 0 : i32
    %dma_wait3A_290 = arith.constant 0 : i32
    %dma_wait3A_291 = tpu.memref_slice %arg4[%dma_wait3A_273, %dma_wait3A_288, %dma_wait3A_289, %dma_wait3A_290] : memref<3x32x1x1024xf32, #tpu.memory_space<vmem>> -> memref<1x32x1x1024xf32, #tpu.memory_space<vmem>>
    %dma_wait3A_292 = tpu.memref_squeeze %dma_wait3A_291 : memref<1x32x1x1024xf32, #tpu.memory_space<vmem>> -> memref<32x1x1024xf32, #tpu.memory_space<vmem>>
    tpu.wait_dma2 semaphore(%dma_wait3A_284 : memref<!tpu.dma_semaphore, #tpu.memory_space<semaphore_mem>>) src(%dma_wait3A_292 : memref<32x1x1024xf32, #tpu.memory_space<vmem>>) dst(%dma_wait3A_287 : memref<32x1x1024xf32, #tpu.memory_space<hbm>>)
    %dma_wait3A_293 = arith.constant 0 : i32
    %dma_wait3A_294 = arith.constant 0 : i32
    %dma_wait3A_295 = arith.constant 0 : i32
    %dma_wait3A_296 = arith.constant 0 : i32
    %dma_wait3A_297 = arith.constant 0 : i32
    %dma_wait3A_298 = tpu.memref_slice %arg4[%dma_wait3A_293, %dma_wait3A_295, %dma_wait3A_296, %dma_wait3A_297] : memref<3x32x1x1024xf32, #tpu.memory_space<vmem>> -> memref<1x32x1x1024xf32, #tpu.memory_space<vmem>>
    %dma_wait3A_299 = tpu.memref_squeeze %dma_wait3A_298 : memref<1x32x1x1024xf32, #tpu.memory_space<vmem>> -> memref<32x1x1024xf32, #tpu.memory_space<vmem>>
    %dma_wait3A_300 = arith.constant 0 : i32
    %dma_wait3A_301 = arith.constant 0 : i32
    %dma_wait3A_302 = tpu.memref_slice %arg3[%add3A_232, %dma_wait3A_300, %dma_wait3A_301] : memref<4096x1x1024xf32, #tpu.memory_space<hbm>> -> memref<32x1x1024xf32, #tpu.memory_space<hbm>>
    %dma_wait3A_303 = tpu.memref_slice %arg6[%dma_wait3A_294] : memref<3x!tpu.dma_semaphore, #tpu.memory_space<semaphore_mem>> -> memref<1x!tpu.dma_semaphore, #tpu.memory_space<semaphore_mem>>
    %dma_wait3A_304 = tpu.memref_squeeze %dma_wait3A_303 : memref<1x!tpu.dma_semaphore, #tpu.memory_space<semaphore_mem>> -> memref<!tpu.dma_semaphore, #tpu.memory_space<semaphore_mem>>
    %dma_wait3A_305 = arith.constant 0 : i32
    %dma_wait3A_306 = arith.constant 0 : i32
    %dma_wait3A_307 = tpu.memref_slice %arg3[%add3A_232, %dma_wait3A_305, %dma_wait3A_306] : memref<4096x1x1024xf32, #tpu.memory_space<hbm>> -> memref<32x1x1024xf32, #tpu.memory_space<hbm>>
    %dma_wait3A_308 = arith.constant 0 : i32
    %dma_wait3A_309 = arith.constant 0 : i32
    %dma_wait3A_310 = arith.constant 0 : i32
    %dma_wait3A_311 = tpu.memref_slice %arg4[%dma_wait3A_293, %dma_wait3A_308, %dma_wait3A_309, %dma_wait3A_310] : memref<3x32x1x1024xf32, #tpu.memory_space<vmem>> -> memref<1x32x1x1024xf32, #tpu.memory_space<vmem>>
    %dma_wait3A_312 = tpu.memref_squeeze %dma_wait3A_311 : memref<1x32x1x1024xf32, #tpu.memory_space<vmem>> -> memref<32x1x1024xf32, #tpu.memory_space<vmem>>
    tpu.wait_dma2 semaphore(%dma_wait3A_304 : memref<!tpu.dma_semaphore, #tpu.memory_space<semaphore_mem>>) src(%dma_wait3A_312 : memref<32x1x1024xf32, #tpu.memory_space<vmem>>) dst(%dma_wait3A_307 : memref<32x1x1024xf32, #tpu.memory_space<hbm>>)
    return
  }
}

</mosaic_0001>

<sc_bundles>
// kernel: kernel.3.cloned.1.call-start
scs
__scs_entry_jumppad:
0x0: {  	(pc) =	sbr.rel $0x88, $3  }
0x1: {  	(tag) =	ssettag $0x0;
	lr =	simm.s32 $0x1  }
0x2: {  	[smem:$0x3FA0] =	sst lr;
	_ =	strace $0xD0000000  }
0x3: {  	_ = 	snop  }
0x4: {  	_ = 	snop  }
0x5: {  	_ = 	snop  }
0x6: {  	_ = 	snop  }
0x7: {  	_ = 	snop  }
__scs_overlays_trampoline_lowered:
0x8: {  	[smem:$0x3FAF] =	sst s0  }
0x9: {  	[smem:$0x3FB0] =	sst s1  }
0xa: {  	[smem:$0x3FB1] =	sst s2  }
0xb: {  	[smem:$0x3FB2] =	sst s3  }
0xc: {  	[smem:$0x3FB3] =	sst s4  }
0xd: {  	[smem:$0x3FB4] =	sst s5  }
0xe: {  	[smem:$0x3FB5] =	sst s6  }
0xf: {  	[smem:$0x3FB6] =	sst s7  }
0x10: {  	[smem:$0x3FB7] =	sst s8  }
0x11: {  	[smem:$0x3FB8] =	sst s9;
	s0 =	simm.s32 @!p0 $0x0  }
0x12: {  	s1 =	sld [smem:$0x3F9E];
	s0 =	simm.s32 @p0 $0x1  }
0x13: {  	[smem:$0x3FB9] =	sst s0;
	s0 =	simm.s32 @!p1 $0x0  }
0x14: {  	s2 =	sld [smem:$0x3F9D];
	s0 =	simm.s32 @p1 $0x1  }
0x15: {  	[smem:$0x3FBA] =	sst s0;
	s0 =	simm.s32 @!p2 $0x0  }
0x16: {  	s3 =	sld [smem:$0x3FDB];
	s0 =	simm.s32 @p2 $0x1  }
0x17: {  	s4 =	simm.s32 $0x1BF5;
	[smem:$0x3FBC] =	sst s0  }
0x18: {  	s0 =	sld [smem:$0x3F9F];
	_ =	swait.ge [sflag:s4], $0x0  }
0x19: {  	s7 =	sld [smem:$0x3FA0]  }
0x1a: {  	s8 =	sadd.s32 $0xFFFFE003, lr  }
0x1b: {  	s9 =	sadd.s32 $0xFFFFFEF7, lr;
	s5 =	simm.s32 $0xFFFFFFFF;
	p2 =	slt.u32 s8, $0xFFFFF086  }
0x1c: {  	p1 =	slt.u32 s9, $0xF7A;
	s5 =	simm.s32 @!p2 $0x0  }
0x1d: {  	s5 =	simm.s32 @p1 $0x1;
	p0 =	seq.s32 s7, s2  }
0x1e: {  	s7 =	smul.u32 @!p0 $0xF7A, s2;
	p2 =	seq.s32 @!p0 s5, $0x0  }
0x1f: {  	s9 =	smul.u32 $0xF7A, s1;
	s8 =	simm.s32 @!p0 $0x1BF5;
	p2 =	por !p2, p0  }
0x20: {  	[sflag:s8] =	ssyncset.s32 @!p0 $0xFFFFF086;
	s6 =	sadd.s32 @!p0 s3, s7;
	s7 =	simm.s32 @!p0 $0x108  }
0x21: {  	s3 =	sadd.s32 s3, s9;
	s6 =	sadd.s32 @!p0 $0x88, s6;
	s7 =	simm.s32 @p2 $0x1082  }
0x22: {  	[simem:s7], [sflag:s8] =	dma.local @!p0 [hbm:s6], $0xF7A  }
0x23: {  	s9 =	sor.u32 $0xD0000000, s2;
	s6 =	simm.s32 $0x108;
	_ =	swait.ge @!p0 [sflag:s8], $0x0  }
0x24: {  	s3 =	sadd.s32 $0x88, s3;
	s6 =	simm.s32 @!p1 $0x1082;
	[sflag:s4] =	ssyncset.s32 $0xFFFFF086  }
0x25: {  	[simem:s6], [sflag:s4] =	dma.local [hbm:s3], $0xF7A  }
0x26: {  	[smem:$0x3FA0] =	sst s1;
	(tag) =	ssettag s2;
	_ =	strace s9  }
0x27: {  	s1 =	sld [smem:$0x3FB0]  }
0x28: {  	s2 =	sld [smem:$0x3FB1]  }
0x29: {  	s4 =	sld [smem:$0x3FB3]  }
0x2a: {  	p0 =	seq.s32 s5, $0x0;
	s5 =	sld [smem:$0x3FB4]  }
0x2b: {  	s6 =	sld [smem:$0x3FB5]  }
0x2c: {  	s7 =	sld [smem:$0x3FB6]  }
0x2d: {  	s3 =	simm.s32 $0x108;
	s8 =	sld [smem:$0x3FB7]  }
0x2e: {  	s3 =	simm.s32 @!p0 $0x1082;
	s9 =	sld [smem:$0x3FB8]  }
0x2f: {  	lr =	sadd.s32 s0, s3;
	s0 =	sld [smem:$0x3FAF]  }
0x30: {  	s3 =	sld [smem:$0x3FB2]  }
0x31: {  	[smem:$0x3FBB] =	sst s10  }
0x32: {  	s10 =	sld [smem:$0x3FB9];
	_ =	sdelay $0x3  }
0x33: {  	p0 =	seq.s32 s10, $0x1;
	s10 =	sld [smem:$0x3FBB];
	_ =	sdelay $0x3  }
0x34: {  	[smem:$0x3FBB] =	sst s10  }
0x35: {  	s10 =	sld [smem:$0x3FBA];
	_ =	sdelay $0x3  }
0x36: {  	p1 =	seq.s32 s10, $0x1;
	s10 =	sld [smem:$0x3FBB];
	_ =	sdelay $0x3  }
0x37: {  	[smem:$0x3FBB] =	sst s10  }
0x38: {  	s10 =	sld [smem:$0x3FBC]  }
0x39: {  	_ = 	snop;
	(pc) =	sbr.ind lr, $3  }
0x3a: {  	_ = 	snop  }
0x3b: {  	_ = 	snop  }
0x3c: {  	p2 =	seq.s32 s10, $0x1;
	s10 =	sld [smem:$0x3FBB]  }
0x3d: {  	_ =	shalt  }
0x3e: {  	_ =	shalt  }
0x3f: {  	_ =	shalt  }
0x40: {  	_ =	shalt  }
0x41: {  	_ =	shalt  }
0x42: {  	_ =	shalt  }
0x43: {  	_ =	shalt  }
0x44: {  	_ =	shalt  }
0x45: {  	_ =	shalt  }
0x46: {  	_ =	shalt  }
0x47: {  	_ =	shalt  }
0x48: {  	_ =	shalt  }
0x49: {  	_ =	shalt  }
0x4a: {  	_ =	shalt  }
0x4b: {  	_ =	shalt  }
0x4c: {  	_ =	shalt  }
0x4d: {  	_ =	shalt  }
0x4e: {  	_ =	shalt  }
0x4f: {  	_ =	shalt  }
0x50: {  	_ =	shalt  }
0x51: {  	_ =	shalt  }
0x52: {  	_ =	shalt  }
0x53: {  	_ =	shalt  }
0x54: {  	_ =	shalt  }
0x55: {  	_ =	shalt  }
0x56: {  	_ =	shalt  }
0x57: {  	_ =	shalt  }
0x58: {  	_ =	shalt  }
0x59: {  	_ =	shalt  }
0x5a: {  	_ =	shalt  }
0x5b: {  	_ =	shalt  }
0x5c: {  	_ =	shalt  }
0x5d: {  	_ =	shalt  }
0x5e: {  	_ =	shalt  }
0x5f: {  	_ =	shalt  }
0x60: {  	_ =	shalt  }
0x61: {  	_ =	shalt  }
0x62: {  	_ =	shalt  }
0x63: {  	_ =	shalt  }
0x64: {  	_ =	shalt  }
0x65: {  	_ =	shalt  }
0x66: {  	_ =	shalt  }
0x67: {  	_ =	shalt  }
0x68: {  	_ =	shalt  }
0x69: {  	_ =	shalt  }
0x6a: {  	_ =	shalt  }
0x6b: {  	_ =	shalt  }
0x6c: {  	_ =	shalt  }
0x6d: {  	_ =	shalt  }
0x6e: {  	_ =	shalt  }
0x6f: {  	_ =	shalt  }
0x70: {  	_ =	shalt  }
0x71: {  	_ =	shalt  }
0x72: {  	_ =	shalt  }
0x73: {  	_ =	shalt  }
0x74: {  	_ =	shalt  }
0x75: {  	_ =	shalt  }
0x76: {  	_ =	shalt  }
0x77: {  	_ =	shalt  }
0x78: {  	_ =	shalt  }
0x79: {  	_ =	shalt  }
0x7a: {  	_ =	shalt  }
0x7b: {  	_ =	shalt  }
0x7c: {  	_ =	shalt  }
0x7d: {  	_ =	shalt  }
0x7e: {  	_ =	shalt  }
0x7f: {  	_ =	shalt  }
0x80: {  	_ =	shalt  }
0x81: {  	_ =	shalt  }
0x82: {  	_ =	shalt  }
0x83: {  	_ =	shalt  }
0x84: {  	_ =	shalt  }
0x85: {  	_ =	shalt  }
0x86: {  	_ =	shalt  }
0x87: {  	_ =	shalt  }
.Lfunc_end0:
.L_simem_size_0:
called_computation_lowered:
.L_overlay_start_0:
0x88: {  	s2 =	sld [smem:$0x3FD9]  }
0x89: {  	s3 =	sld [smem:$0x3FFE];
	_ =	sdelay $0x1  }
0x8a: {  	s1 =	srdreg.scid  }
0x8b: {  	s0 =	sand.u32 $0x1, s1  }
0x8c: {  	s18 =	sshll.u32 s0, $0xA;
	s2 =	sadd.s32 s3, s2  }
0x8d: {  	s2 =	sadd.s32 s2, s18  }
0x8e: {  	[smem:$0x3FC7] =	sst s2  }
0x8f: {  	_ = 	snop  }
0x90: {  	s2 =	sld [smem:$0x3FC9]  }
0x91: {  	s19 =	sld [smem:$0x3FD0];
	(tm) =	ssettm $0x1  }
0x92: {  	s4 =	sld [smem:$0x3FFB];
	_ =	sdelay $0x3  }
0x93: {  	_ =	strace s4  }
0x94: {  	s4 =	sld [smem:$0x3FFC];
	_ =	sdelay $0x3  }
0x95: {  	_ =	strace s4  }
0x96: {  	s4 =	sld [smem:$0x3FFD];
	_ =	sdelay $0x3  }
0x97: {  	_ =	strace s4  }
0x98: {  	_ =	strace $0x8FFFFFFF  }
0x99: {  	s20 =	sld [smem:$0x3FDB];
	_ =	sdelay $0x1  }
0x9a: {  	s5 =	simm.s32 $_scs_section_size  }
0x9b: {  	s6 =	simm.s32 $_size__tile_overlayer_lowered;
	s7 =	simm.s32 $_tile_overlayer_lowered  }
0x9c: {  	s23 =	simm.s32 $0x1BFF;
	s22 =	sshll.u32 s7, $0x1;
	s4 =	sadd.s32 s5, s20  }
0x9d: {  	s8 =	simm.s32 $0x0;
	s21 =	sshll.u32 s6, $0x1;
	s6 =	sadd.s32 s22, s4  }
0x9e: {  	[timem:s8], [sflag:s23] =	dma.local [hbm:s6], s21  }
0x9f: {  	_ =	swait.ge [sflag:s23], s21  }
0xa0: {  	s5 =	ssub.s32 $0x0, s21;
	[sflag:s23] =	ssyncset.done $0x0  }
0xa1: {  	[sflag:s23] =	ssyncadd.s32 s5;
	_ =	sdelay $0x1  }
0xa2: {  	s24 =	simm.s32 $0x1B8B  }
0xa3: {  	_ =	swait.ge [sflag:s24], $0x1  }
0xa4: {  	[sflag:s24] =	ssyncset.done $0x0  }
0xa5: {  	s25 =	simm.s32 $0x1B8E;
	[sflag:s24] =	ssyncadd.s32 $0xFFFFFFFF  }
0xa6: {  	s26 =	simm.s32 $execute0_lowered;
	[smem:$0x3FD2] =	sst s25  }
0xa7: {  	s5 =	sshll.u32 s26, $0x1;
	_ =	strace $0x80000046;
	[dreg:$0x1] =	wrdreg $0xFFFFFFFF  }
0xa8: {  	s28 =	simm.s32 $_size_execute0_lowered;
	s4 =	sadd.s32 s4, s5;
	[dreg:$0x0] =	wrdreg $0x0  }
0xa9: {  	s5 =	sshll.u32 s28, $0x1;
	[dreg:$0x2] =	wrdreg s4  }
0xaa: {  	[dreg:$0x3] =	wrdreg s5  }
0xab: {  	[dreg:$0x4] =	wrdreg $0xC0  }
0xac: {  	_ =	task [dreg:s8], $0x5FFFF  }
0xad: {  	[dreg:$0x1] =	wrdreg $0xFFFFFFFF  }
0xae: {  	[dreg:$0x0] =	wrdreg $0x60  }
0xaf: {  	[dreg:$0x2] =	wrdreg s2  }
0xb0: {  	[dreg:$0x3] =	wrdreg s19  }
0xb1: {  	[dreg:$0x4] =	wrdreg $0x9  }
0xb2: {  	_ =	task.clear_ibuf [dreg:s8], $0x5FFFF;
	_ =	strace $0x90000046  }
0xb3: {  	s29 =	simm.s32 $0x9;
	_ =	strace $0x80000048  }
0xb4: {  	_ =	swait.ge [sflag:s29], $0x1  }
0xb5: {  	[sflag:s29] =	ssyncadd.s32 $0xFFFFFFFF  }
0xb6: {  	_ =	strace $0x90000048  }
0xb7: {  	_ =	sfence  }
0xb8: {  	s30 =	sld [smem:$0x0];
	_ =	sdelay $0x2  }
0xb9: {  	s31 =	sshll.u32 s1, $0xD;
	s1 =	sshrl.u32 s1, $0x2  }
0xba: {  	s3 =	sand.u32 $0x4000, s31;
	s1 =	sadd.s32 s1, s30  }
0xbb: {  	s0 =	sor.u32 s3, s0;
	s1 =	sshll.u32 s1, $0x11  }
0xbc: {  	s0 =	sor.u32 s1, s0  }
0xbd: {  	s0 =	sadd.s32 $0x8F2B, s0  }
0xbe: {  	[sflag:s0] =	ssyncadd.remote.s32 $0x1  }
0xbf: {  	_ =	sfence.sel $0xFFFF  }
0xc0: {  	[dreg:$0x0] =	wrdreg $0xFFFFFFFF;
	(pc) =	sbr.abs _section_cstart, $3  }
0xc1: {  	[dreg:$0x1] =	wrdreg $0xFFFFFFFF  }
0xc2: {  	_ =	task.clear_ibuf [dreg:s8], $0x2FFFF;
	_ =	strace $0x9FFFFFFF  }
0xc3: {  	(tm) =	ssettm $0x7FFFFFFF  }
tec
execute0_lowered:
.L_overlay_start_1:
0x0: {  	(tag) =	ssettag $0x1  }
0x1: {  	s7 =	rddreg [dreg:$0x0]  }
0x2: {  	s10 =	rddreg [dreg:$0x1]  }
0x3: {  	s0 =	rddreg [dreg:$0x2];
	s2 =	simm.s32 $0x0;
	s3 =	srdreg.scid  }
0x4: {  	s1 =	stileid.u32;
	s14 =	simm.s32 $0x1;
	s15 =	simm.s32 $0x4  }
0x5: {  	s16 =	simm.s32 $0x2;
	s17 =	simm.s32 $0x8000;
	s18 =	simm.s32 $0x3  }
0x6: {  	s19 =	simm.s32 $0x10000;
	s20 =	simm.s32 $0x5;
	s21 =	simm.s32 $0x6  }
0x7: {  	s22 =	simm.s32 $0x0;
	[smem:$0x7FF] =	sst s2;
	s3 =	sand.u32 $0x1, s3  }
0x8: {  	s5 =	sshll.u32 s1, $0xF;
	s4 =	ssub.s32 $0x2, s3;
	s3 =	sshll.u32 s3, $0xE  }
0x9: {  	_ =	strace $0x80000047;
	s6 =	sshrl.u32 s4, $0x1;
	s8 =	sor.u32 s3, s5  }
0xa: {  	s11 =	ssub.s32 s4, s6;
	s3 =	sadd.s32 s7, s8;
	s9 =	sor.u32 $0x1000, s8  }
0xb: {  	s12 =	sor.u32 $0x2000, s8;
	s13 =	sor.u32 $0x3000, s8;
	s6 =	sadd.s32 s10, s8  }
0xc: {  	s4 =	sadd.s32 s7, s9;
	s5 =	sadd.s32 s7, s12;
	s7 =	sadd.s32 s7, s13  }
0xd: {  	s8 =	sadd.s32 s10, s9;
	s9 =	sadd.s32 s10, s12;
	s10 =	sadd.s32 s10, s13  }
0xe: {  	s11 =	smax.u32 s11, $0x1;
	s12 =	simm.s32 $0x80;
	s13 =	simm.s32 $0x400  }
.LBB2_1:
0xf: {  	s23 =	simm.s32 $0x0  }
0x10: {  	[tilespmem:s23], [sflag:$0x1] =	stream.strided.gather [hbm4b:s3+s12], $0x400, s13, s12, $0x38;
	[tilespmem:$0x18000] =	vst v63  }
0x11: {  	s26 =	sadd.s32 $0x10, s3;
	s24 =	simm.s32 $0x400  }
0x12: {  	[tilespmem:s24], [sflag:$0x1] =	stream.strided.gather [hbm4b:s26+s12], $0x400, s13, s12, $0x38;
	[tilespmem:$0x18000] =	vst v63  }
0x13: {  	s28 =	sadd.s32 $0x20, s3;
	s29 =	simm.s32 $0x800  }
0x14: {  	[tilespmem:s29], [sflag:$0x1] =	stream.strided.gather [hbm4b:s28+s12], $0x400, s13, s12, $0x38;
	[tilespmem:$0x18000] =	vst v63  }
0x15: {  	s30 =	sadd.s32 $0x30, s3;
	s31 =	simm.s32 $0xC00;
	s25 =	sadd.s32 $0x40, s3  }
0x16: {  	[tilespmem:s31], [sflag:$0x1] =	stream.strided.gather [hbm4b:s30+s12], $0x400, s13, s12, $0x38;
	[tilespmem:$0x18000] =	vst v63  }
0x17: {  	s23 =	simm.s32 $0x8000;
	s26 =	simm.s32 $0x1000;
	s24 =	sadd.s32 $0x400, s3  }
0x18: {  	[tilespmem:s26], [sflag:$0x1] =	stream.strided.gather [hbm4b:s25+s12], $0x400, s13, s12, $0x38;
	[tilespmem:$0x18000] =	vst v63  }
0x19: {  	s28 =	sadd.s32 $0x50, s3;
	s29 =	simm.s32 $0x1400;
	s30 =	sadd.s32 $0x60, s3  }
0x1a: {  	[tilespmem:s29], [sflag:$0x1] =	stream.strided.gather [hbm4b:s28+s12], $0x400, s13, s12, $0x38;
	[tilespmem:$0x18000] =	vst v63  }
0x1b: {  	s31 =	simm.s32 $0x1800;
	s25 =	sadd.s32 $0x70, s3;
	s26 =	simm.s32 $0x1C00  }
0x1c: {  	[tilespmem:s31], [sflag:$0x1] =	stream.strided.gather [hbm4b:s30+s12], $0x400, s13, s12, $0x38;
	[tilespmem:$0x18000] =	vst v63  }
.LBB2_2:
0x1d: {  	[tilespmem:s26], [sflag:$0x1] =	stream.strided.gather [hbm4b:s25+s12], $0x400, s13, s12, $0x38;
	[tilespmem:$0x18000] =	vst v63  }
0x1e: {  	s26 =	sshra.s32 s23, $0x2;
	p0 =	sne.s32 s23, $0x18000;
	s23 =	sadd.s32 $0x8000, s23  }
0x1f: {  	[tilespmem:s26], [sflag:$0x1] =	stream.strided.gather [hbm4b:s24+s12], $0x400, s13, s12, $0x38;
	[tilespmem:$0x18000] =	vst v63  }
0x20: {  	s25 =	sadd.s32 $0x10, s24;
	s28 =	sadd.s32 $0x400, s26  }
0x21: {  	[tilespmem:s28], [sflag:$0x1] =	stream.strided.gather [hbm4b:s25+s12], $0x400, s13, s12, $0x38;
	[tilespmem:$0x18000] =	vst v63  }
0x22: {  	s25 =	sadd.s32 $0x20, s24;
	s28 =	sadd.s32 $0x800, s26  }
0x23: {  	[tilespmem:s28], [sflag:$0x1] =	stream.strided.gather [hbm4b:s25+s12], $0x400, s13, s12, $0x38;
	[tilespmem:$0x18000] =	vst v63  }
0x24: {  	s25 =	sadd.s32 $0x30, s24;
	s28 =	sadd.s32 $0xC00, s26  }
0x25: {  	[tilespmem:s28], [sflag:$0x1] =	stream.strided.gather [hbm4b:s25+s12], $0x400, s13, s12, $0x38;
	[tilespmem:$0x18000] =	vst v63  }
0x26: {  	s25 =	sadd.s32 $0x40, s24;
	s28 =	sadd.s32 $0x1000, s26  }
0x27: {  	[tilespmem:s28], [sflag:$0x1] =	stream.strided.gather [hbm4b:s25+s12], $0x400, s13, s12, $0x38;
	[tilespmem:$0x18000] =	vst v63  }
.Ltmp0:
0x28: {  	s25 =	sadd.s32 $0x50, s24;
	s28 =	sadd.s32 $0x1400, s26;
	(pc) =	sbr.rel @p0 .LBB2_2-.Ltmp0, $4  }
0x29: {  	[tilespmem:s28], [sflag:$0x1] =	stream.strided.gather [hbm4b:s25+s12], $0x400, s13, s12, $0x38;
	[tilespmem:$0x18000] =	vst v63  }
0x2a: {  	s25 =	sadd.s32 $0x60, s24;
	s28 =	sadd.s32 $0x1800, s26  }
0x2b: {  	[tilespmem:s28], [sflag:$0x1] =	stream.strided.gather [hbm4b:s25+s12], $0x400, s13, s12, $0x38;
	[tilespmem:$0x18000] =	vst v63  }
0x2c: {  	s26 =	sadd.s32 $0x1C00, s26;
	s25 =	sadd.s32 $0x70, s24;
	s24 =	sadd.s32 $0x400, s24  }
0x2d: {  	[tilespmem:s26], [sflag:$0x1] =	stream.strided.gather [hbm4b:s25+s12], $0x400, s13, s12, $0x38;
	[tilespmem:$0x18000] =	vst v63  }
0x2e: {  	s23 =	simm.s32 $0x8000  }
0x2f: {  	[tilespmem:s23], [sflag:$0x2] =	stream.strided.gather [hbm4b:s4+s12], $0x400, s13, s12, $0x38;
	[tilespmem:$0x18000] =	vst v63  }
0x30: {  	s25 =	sadd.s32 $0x10, s4;
	s24 =	simm.s32 $0x8400  }
0x31: {  	[tilespmem:s24], [sflag:$0x2] =	stream.strided.gather [hbm4b:s25+s12], $0x400, s13, s12, $0x38;
	[tilespmem:$0x18000] =	vst v63  }
0x32: {  	s26 =	sadd.s32 $0x20, s4;
	s29 =	simm.s32 $0x8800;
	s30 =	sadd.s32 $0x30, s4  }
0x33: {  	[tilespmem:s29], [sflag:$0x2] =	stream.strided.gather [hbm4b:s26+s12], $0x400, s13, s12, $0x38;
	[tilespmem:$0x18000] =	vst v63  }
0x34: {  	s31 =	simm.s32 $0x8C00;
	s28 =	simm.s32 $0x9C00;
	s23 =	simm.s32 $0x2000  }
0x35: {  	[tilespmem:s31], [sflag:$0x2] =	stream.strided.gather [hbm4b:s30+s12], $0x400, s13, s12, $0x38;
	[tilespmem:$0x18000] =	vst v63  }
0x36: {  	s24 =	sadd.s32 $0x40, s4;
	s25 =	simm.s32 $0x9000;
	s26 =	sadd.s32 $0x50, s4  }
0x37: {  	[tilespmem:s25], [sflag:$0x2] =	stream.strided.gather [hbm4b:s24+s12], $0x400, s13, s12, $0x38;
	[tilespmem:$0x18000] =	vst v63  }
0x38: {  	s29 =	simm.s32 $0x9400;
	s30 =	sadd.s32 $0x60, s4;
	s31 =	simm.s32 $0x9800  }
0x39: {  	[tilespmem:s29], [sflag:$0x2] =	stream.strided.gather [hbm4b:s26+s12], $0x400, s13, s12, $0x38;
	[tilespmem:$0x18000] =	vst v63  }
0x3a: {  	s25 =	simm.s32 $0x10000;
	s24 =	sadd.s32 $0x400, s4;
	s26 =	sadd.s32 $0x70, s4  }
0x3b: {  	[tilespmem:s31], [sflag:$0x2] =	stream.strided.gather [hbm4b:s30+s12], $0x400, s13, s12, $0x38;
	[tilespmem:$0x18000] =	vst v63  }
.LBB2_4:
0x3c: {  	[tilespmem:s28], [sflag:$0x2] =	stream.strided.gather [hbm4b:s26+s12], $0x400, s13, s12, $0x38;
	[tilespmem:$0x18000] =	vst v63  }
0x3d: {  	s28 =	smov.u32 s23;
	s23 =	smov.u32 s25  }
0x3e: {  	s29 =	sadd.s32 $0x8000, s25;
	s23 =	sshra.s32 s23, $0x2;
	s26 =	sadd.s32 $0x8000, s28  }
0x3f: {  	[tilespmem:s26], [sflag:$0x2] =	stream.strided.gather [hbm4b:s24+s12], $0x400, s13, s12, $0x38;
	[tilespmem:$0x18000] =	vst v63  }
0x40: {  	p0 =	sne.s32 s25, $0x18000;
	s25 =	sadd.s32 $0x10, s24;
	s26 =	sadd.s32 $0x8400, s28  }
0x41: {  	[tilespmem:s26], [sflag:$0x2] =	stream.strided.gather [hbm4b:s25+s12], $0x400, s13, s12, $0x38;
	[tilespmem:$0x18000] =	vst v63  }
0x42: {  	s25 =	sadd.s32 $0x20, s24;
	s26 =	sadd.s32 $0x8800, s28  }
0x43: {  	[tilespmem:s26], [sflag:$0x2] =	stream.strided.gather [hbm4b:s25+s12], $0x400, s13, s12, $0x38;
	[tilespmem:$0x18000] =	vst v63  }
0x44: {  	s25 =	sadd.s32 $0x30, s24;
	s26 =	sadd.s32 $0x8C00, s28  }
0x45: {  	[tilespmem:s26], [sflag:$0x2] =	stream.strided.gather [hbm4b:s25+s12], $0x400, s13, s12, $0x38;
	[tilespmem:$0x18000] =	vst v63  }
0x46: {  	s25 =	sadd.s32 $0x40, s24;
	s26 =	sadd.s32 $0x9000, s28  }
0x47: {  	[tilespmem:s26], [sflag:$0x2] =	stream.strided.gather [hbm4b:s25+s12], $0x400, s13, s12, $0x38;
	[tilespmem:$0x18000] =	vst v63  }
.Ltmp1:
0x48: {  	s25 =	sadd.s32 $0x50, s24;
	s26 =	sadd.s32 $0x9400, s28;
	(pc) =	sbr.rel @p0 .LBB2_4-.Ltmp1, $4  }
0x49: {  	[tilespmem:s26], [sflag:$0x2] =	stream.strided.gather [hbm4b:s25+s12], $0x400, s13, s12, $0x38;
	[tilespmem:$0x18000] =	vst v63  }
0x4a: {  	s25 =	sadd.s32 $0x60, s24;
	s26 =	sadd.s32 $0x9800, s28;
	s28 =	sadd.s32 $0x9C00, s28  }
0x4b: {  	[tilespmem:s26], [sflag:$0x2] =	stream.strided.gather [hbm4b:s25+s12], $0x400, s13, s12, $0x38;
	[tilespmem:$0x18000] =	vst v63  }
0x4c: {  	s26 =	sadd.s32 $0x70, s24;
	s24 =	sadd.s32 $0x400, s24;
	s25 =	smov.u32 s29  }
0x4d: {  	[tilespmem:s28], [sflag:$0x2] =	stream.strided.gather [hbm4b:s26+s12], $0x400, s13, s12, $0x38;
	[tilespmem:$0x18000] =	vst v63  }
0x4e: {  	s25 =	sadd.s32 $0x8000, s23  }
0x4f: {  	[tilespmem:s25], [sflag:$0x2] =	stream.strided.gather [hbm4b:s24+s12], $0x400, s13, s12, $0x38;
	[tilespmem:$0x18000] =	vst v63  }
0x50: {  	s26 =	sadd.s32 $0x10, s24;
	s29 =	sadd.s32 $0x8400, s23  }
0x51: {  	[tilespmem:s29], [sflag:$0x2] =	stream.strided.gather [hbm4b:s26+s12], $0x400, s13, s12, $0x38;
	[tilespmem:$0x18000] =	vst v63  }
0x52: {  	s30 =	sadd.s32 $0x20, s24;
	s31 =	sadd.s32 $0x8800, s23  }
0x53: {  	[tilespmem:s31], [sflag:$0x2] =	stream.strided.gather [hbm4b:s30+s12], $0x400, s13, s12, $0x38;
	[tilespmem:$0x18000] =	vst v63  }
0x54: {  	s26 =	sadd.s32 $0x30, s24;
	s29 =	sadd.s32 $0x8C00, s23  }
0x55: {  	[tilespmem:s29], [sflag:$0x2] =	stream.strided.gather [hbm4b:s26+s12], $0x400, s13, s12, $0x38;
	[tilespmem:$0x18000] =	vst v63  }
0x56: {  	s30 =	sadd.s32 $0x40, s24;
	s31 =	sadd.s32 $0x9000, s23  }
0x57: {  	[tilespmem:s31], [sflag:$0x2] =	stream.strided.gather [hbm4b:s30+s12], $0x400, s13, s12, $0x38;
	[tilespmem:$0x18000] =	vst v63  }
0x58: {  	s26 =	sadd.s32 $0x50, s24;
	s29 =	sadd.s32 $0x9400, s23  }
0x59: {  	[tilespmem:s29], [sflag:$0x2] =	stream.strided.gather [hbm4b:s26+s12], $0x400, s13, s12, $0x38;
	[tilespmem:$0x18000] =	vst v63  }
0x5a: {  	s30 =	sadd.s32 $0x60, s24;
	s31 =	sadd.s32 $0x9800, s23  }
0x5b: {  	[tilespmem:s31], [sflag:$0x2] =	stream.strided.gather [hbm4b:s30+s12], $0x400, s13, s12, $0x38;
	[tilespmem:$0x18000] =	vst v63  }
0x5c: {  	s29 =	sadd.s32 $0x70, s24;
	s30 =	sadd.s32 $0x9C00, s23  }
0x5d: {  	[tilespmem:s30], [sflag:$0x2] =	stream.strided.gather [hbm4b:s29+s12], $0x400, s13, s12, $0x38;
	[tilespmem:$0x18000] =	vst v63  }
0x5e: {  	s31 =	simm.s32 $0x10000  }
0x5f: {  	[tilespmem:s31], [sflag:$0x3] =	stream.strided.gather [hbm4b:s5+s12], $0x400, s13, s12, $0x38;
	[tilespmem:$0x18000] =	vst v63  }
0x60: {  	s25 =	simm.s32 $0x10400;
	s24 =	sadd.s32 $0x10, s5  }
0x61: {  	[tilespmem:s25], [sflag:$0x3] =	stream.strided.gather [hbm4b:s24+s12], $0x400, s13, s12, $0x38;
	[tilespmem:$0x18000] =	vst v63  }
0x62: {  	s28 =	simm.s32 $0x11C00;
	s26 =	sadd.s32 $0x20, s5;
	s29 =	simm.s32 $0x10800  }
0x63: {  	[tilespmem:s29], [sflag:$0x3] =	stream.strided.gather [hbm4b:s26+s12], $0x400, s13, s12, $0x38;
	[tilespmem:$0x18000] =	vst v63  }
0x64: {  	s23 =	simm.s32 $0x2000;
	s30 =	sadd.s32 $0x30, s5;
	s31 =	simm.s32 $0x10C00  }
0x65: {  	[tilespmem:s31], [sflag:$0x3] =	stream.strided.gather [hbm4b:s30+s12], $0x400, s13, s12, $0x38;
	[tilespmem:$0x18000] =	vst v63  }
0x66: {  	s24 =	sadd.s32 $0x40, s5;
	s25 =	simm.s32 $0x11000;
	s26 =	sadd.s32 $0x50, s5  }
0x67: {  	[tilespmem:s25], [sflag:$0x3] =	stream.strided.gather [hbm4b:s24+s12], $0x400, s13, s12, $0x38;
	[tilespmem:$0x18000] =	vst v63  }
0x68: {  	s29 =	simm.s32 $0x11400;
	s30 =	sadd.s32 $0x60, s5;
	s31 =	simm.s32 $0x11800  }
0x69: {  	[tilespmem:s29], [sflag:$0x3] =	stream.strided.gather [hbm4b:s26+s12], $0x400, s13, s12, $0x38;
	[tilespmem:$0x18000] =	vst v63  }
0x6a: {  	s25 =	simm.s32 $0x10000;
	s24 =	sadd.s32 $0x400, s5;
	s26 =	sadd.s32 $0x70, s5  }
0x6b: {  	[tilespmem:s31], [sflag:$0x3] =	stream.strided.gather [hbm4b:s30+s12], $0x400, s13, s12, $0x38;
	[tilespmem:$0x18000] =	vst v63  }
.LBB2_6:
0x6c: {  	[tilespmem:s28], [sflag:$0x3] =	stream.strided.gather [hbm4b:s26+s12], $0x400, s13, s12, $0x38;
	[tilespmem:$0x18000] =	vst v63  }
0x6d: {  	s28 =	smov.u32 s23;
	s23 =	smov.u32 s25  }
0x6e: {  	s29 =	sadd.s32 $0x8000, s25;
	s23 =	sshra.s32 s23, $0x2;
	s26 =	sadd.s32 $0x10000, s28  }
0x6f: {  	[tilespmem:s26], [sflag:$0x3] =	stream.strided.gather [hbm4b:s24+s12], $0x400, s13, s12, $0x38;
	[tilespmem:$0x18000] =	vst v63  }
0x70: {  	p0 =	sne.s32 s25, $0x18000;
	s25 =	sadd.s32 $0x10, s24;
	s26 =	sadd.s32 $0x10400, s28  }
0x71: {  	[tilespmem:s26], [sflag:$0x3] =	stream.strided.gather [hbm4b:s25+s12], $0x400, s13, s12, $0x38;
	[tilespmem:$0x18000] =	vst v63  }
0x72: {  	s25 =	sadd.s32 $0x20, s24;
	s26 =	sadd.s32 $0x10800, s28  }
0x73: {  	[tilespmem:s26], [sflag:$0x3] =	stream.strided.gather [hbm4b:s25+s12], $0x400, s13, s12, $0x38;
	[tilespmem:$0x18000] =	vst v63  }
0x74: {  	s25 =	sadd.s32 $0x30, s24;
	s26 =	sadd.s32 $0x10C00, s28  }
0x75: {  	[tilespmem:s26], [sflag:$0x3] =	stream.strided.gather [hbm4b:s25+s12], $0x400, s13, s12, $0x38;
	[tilespmem:$0x18000] =	vst v63  }
0x76: {  	s25 =	sadd.s32 $0x40, s24;
	s26 =	sadd.s32 $0x11000, s28  }
0x77: {  	[tilespmem:s26], [sflag:$0x3] =	stream.strided.gather [hbm4b:s25+s12], $0x400, s13, s12, $0x38;
	[tilespmem:$0x18000] =	vst v63  }
.Ltmp2:
0x78: {  	s25 =	sadd.s32 $0x50, s24;
	s26 =	sadd.s32 $0x11400, s28;
	(pc) =	sbr.rel @p0 .LBB2_6-.Ltmp2, $4  }
0x79: {  	[tilespmem:s26], [sflag:$0x3] =	stream.strided.gather [hbm4b:s25+s12], $0x400, s13, s12, $0x38;
	[tilespmem:$0x18000] =	vst v63  }
0x7a: {  	s25 =	sadd.s32 $0x60, s24;
	s26 =	sadd.s32 $0x11800, s28;
	s28 =	sadd.s32 $0x11C00, s28  }
0x7b: {  	[tilespmem:s26], [sflag:$0x3] =	stream.strided.gather [hbm4b:s25+s12], $0x400, s13, s12, $0x38;
	[tilespmem:$0x18000] =	vst v63  }
0x7c: {  	s26 =	sadd.s32 $0x70, s24;
	s24 =	sadd.s32 $0x400, s24;
	s25 =	smov.u32 s29  }
0x7d: {  	[tilespmem:s28], [sflag:$0x3] =	stream.strided.gather [hbm4b:s26+s12], $0x400, s13, s12, $0x38;
	[tilespmem:$0x18000] =	vst v63  }
0x7e: {  	s25 =	sadd.s32 $0x10000, s23  }
0x7f: {  	[tilespmem:s25], [sflag:$0x3] =	stream.strided.gather [hbm4b:s24+s12], $0x400, s13, s12, $0x38;
	[tilespmem:$0x18000] =	vst v63  }
0x80: {  	s30 =	sadd.s32 $0x10, s24;
	s31 =	sadd.s32 $0x10400, s23  }
0x81: {  	[tilespmem:s31], [sflag:$0x3] =	stream.strided.gather [hbm4b:s30+s12], $0x400, s13, s12, $0x38;
	[tilespmem:$0x18000] =	vst v63  }
0x82: {  	s28 =	sadd.s32 $0x20, s24;
	s29 =	sadd.s32 $0x10800, s23  }
0x83: {  	[tilespmem:s29], [sflag:$0x3] =	stream.strided.gather [hbm4b:s28+s12], $0x400, s13, s12, $0x38;
	[tilespmem:$0x18000] =	vst v63  }
0x84: {  	s30 =	sadd.s32 $0x30, s24;
	s31 =	sadd.s32 $0x10C00, s23  }
0x85: {  	[tilespmem:s31], [sflag:$0x3] =	stream.strided.gather [hbm4b:s30+s12], $0x400, s13, s12, $0x38;
	[tilespmem:$0x18000] =	vst v63  }
0x86: {  	s28 =	sadd.s32 $0x40, s24;
	s29 =	sadd.s32 $0x11000, s23  }
0x87: {  	[tilespmem:s29], [sflag:$0x3] =	stream.strided.gather [hbm4b:s28+s12], $0x400, s13, s12, $0x38;
	[tilespmem:$0x18000] =	vst v63  }
0x88: {  	s30 =	sadd.s32 $0x50, s24;
	s31 =	sadd.s32 $0x11400, s23  }
0x89: {  	[tilespmem:s31], [sflag:$0x3] =	stream.strided.gather [hbm4b:s30+s12], $0x400, s13, s12, $0x38;
	[tilespmem:$0x18000] =	vst v63  }
0x8a: {  	s26 =	sadd.s32 $0x60, s24;
	s28 =	sadd.s32 $0x11800, s23  }
0x8b: {  	[tilespmem:s28], [sflag:$0x3] =	stream.strided.gather [hbm4b:s26+s12], $0x400, s13, s12, $0x38;
	[tilespmem:$0x18000] =	vst v63  }
0x8c: {  	s29 =	sadd.s32 $0x70, s24;
	s30 =	sadd.s32 $0x11C00, s23  }
0x8d: {  	[tilespmem:s30], [sflag:$0x3] =	stream.strided.gather [hbm4b:s29+s12], $0x400, s13, s12, $0x38;
	[tilespmem:$0x18000] =	vst v63  }
0x8e: {  	_ =	swait.ge [sflag:s14], $0x8000  }
0x8f: {  	[sflag:s14] =	ssyncset.done $0x0  }
0x90: {  	s31 =	simm.s32 $0x0;
	[sflag:s14] =	ssyncadd.s32 $0xFFFF8000  }
0x91: {  	[hbm4b:s6+s31] =	stream.linear.scatter [tilespmem:s31], [sflag:$0x4], $0x8000, $0x38;
	[tilespmem:$0x18000] =	vst v63  }
0x92: {  	_ =	swait.ge [sflag:s15], $0x8000  }
0x93: {  	[sflag:s15] =	ssyncset.done $0x0  }
0x94: {  	s24 =	simm.s32 $0x0;
	[sflag:s15] =	ssyncadd.s32 $0xFFFF8000  }
0x95: {  	[tilespmem:s24], [sflag:$0x1] =	stream.strided.gather [hbm4b:s7+s12], $0x400, s13, s12, $0x38;
	[tilespmem:$0x18000] =	vst v63  }
0x96: {  	s25 =	sadd.s32 $0x10, s7;
	s26 =	simm.s32 $0x400  }
0x97: {  	[tilespmem:s26], [sflag:$0x1] =	stream.strided.gather [hbm4b:s25+s12], $0x400, s13, s12, $0x38;
	[tilespmem:$0x18000] =	vst v63  }
0x98: {  	s28 =	sadd.s32 $0x20, s7;
	s29 =	simm.s32 $0x800  }
0x99: {  	[tilespmem:s29], [sflag:$0x1] =	stream.strided.gather [hbm4b:s28+s12], $0x400, s13, s12, $0x38;
	[tilespmem:$0x18000] =	vst v63  }
0x9a: {  	s23 =	simm.s32 $0x8000;
	s30 =	sadd.s32 $0x30, s7;
	s31 =	simm.s32 $0xC00  }
0x9b: {  	[tilespmem:s31], [sflag:$0x1] =	stream.strided.gather [hbm4b:s30+s12], $0x400, s13, s12, $0x38;
	[tilespmem:$0x18000] =	vst v63  }
0x9c: {  	s24 =	sadd.s32 $0x400, s7;
	s25 =	sadd.s32 $0x40, s7;
	s26 =	simm.s32 $0x1000  }
0x9d: {  	[tilespmem:s26], [sflag:$0x1] =	stream.strided.gather [hbm4b:s25+s12], $0x400, s13, s12, $0x38;
	[tilespmem:$0x18000] =	vst v63  }
0x9e: {  	s28 =	sadd.s32 $0x50, s7;
	s29 =	simm.s32 $0x1400;
	s30 =	sadd.s32 $0x60, s7  }
0x9f: {  	[tilespmem:s29], [sflag:$0x1] =	stream.strided.gather [hbm4b:s28+s12], $0x400, s13, s12, $0x38;
	[tilespmem:$0x18000] =	vst v63  }
0xa0: {  	s31 =	simm.s32 $0x1800;
	s25 =	sadd.s32 $0x70, s7;
	s26 =	simm.s32 $0x1C00  }
0xa1: {  	[tilespmem:s31], [sflag:$0x1] =	stream.strided.gather [hbm4b:s30+s12], $0x400, s13, s12, $0x38;
	[tilespmem:$0x18000] =	vst v63  }
.LBB2_8:
0xa2: {  	[tilespmem:s26], [sflag:$0x1] =	stream.strided.gather [hbm4b:s25+s12], $0x400, s13, s12, $0x38;
	[tilespmem:$0x18000] =	vst v63  }
0xa3: {  	s26 =	sshra.s32 s23, $0x2;
	p0 =	sne.s32 s23, $0x18000;
	s23 =	sadd.s32 $0x8000, s23  }
0xa4: {  	[tilespmem:s26], [sflag:$0x1] =	stream.strided.gather [hbm4b:s24+s12], $0x400, s13, s12, $0x38;
	[tilespmem:$0x18000] =	vst v63  }
0xa5: {  	s25 =	sadd.s32 $0x10, s24;
	s28 =	sadd.s32 $0x400, s26  }
0xa6: {  	[tilespmem:s28], [sflag:$0x1] =	stream.strided.gather [hbm4b:s25+s12], $0x400, s13, s12, $0x38;
	[tilespmem:$0x18000] =	vst v63  }
0xa7: {  	s25 =	sadd.s32 $0x20, s24;
	s28 =	sadd.s32 $0x800, s26  }
0xa8: {  	[tilespmem:s28], [sflag:$0x1] =	stream.strided.gather [hbm4b:s25+s12], $0x400, s13, s12, $0x38;
	[tilespmem:$0x18000] =	vst v63  }
0xa9: {  	s25 =	sadd.s32 $0x30, s24;
	s28 =	sadd.s32 $0xC00, s26  }
0xaa: {  	[tilespmem:s28], [sflag:$0x1] =	stream.strided.gather [hbm4b:s25+s12], $0x400, s13, s12, $0x38;
	[tilespmem:$0x18000] =	vst v63  }
0xab: {  	s25 =	sadd.s32 $0x40, s24;
	s28 =	sadd.s32 $0x1000, s26  }
0xac: {  	[tilespmem:s28], [sflag:$0x1] =	stream.strided.gather [hbm4b:s25+s12], $0x400, s13, s12, $0x38;
	[tilespmem:$0x18000] =	vst v63  }
.Ltmp3:
0xad: {  	s25 =	sadd.s32 $0x50, s24;
	s28 =	sadd.s32 $0x1400, s26;
	(pc) =	sbr.rel @p0 .LBB2_8-.Ltmp3, $4  }
0xae: {  	[tilespmem:s28], [sflag:$0x1] =	stream.strided.gather [hbm4b:s25+s12], $0x400, s13, s12, $0x38;
	[tilespmem:$0x18000] =	vst v63  }
0xaf: {  	s25 =	sadd.s32 $0x60, s24;
	s28 =	sadd.s32 $0x1800, s26  }
0xb0: {  	[tilespmem:s28], [sflag:$0x1] =	stream.strided.gather [hbm4b:s25+s12], $0x400, s13, s12, $0x38;
	[tilespmem:$0x18000] =	vst v63  }
0xb1: {  	s26 =	sadd.s32 $0x1C00, s26;
	s25 =	sadd.s32 $0x70, s24;
	s24 =	sadd.s32 $0x400, s24  }
0xb2: {  	[tilespmem:s26], [sflag:$0x1] =	stream.strided.gather [hbm4b:s25+s12], $0x400, s13, s12, $0x38;
	[tilespmem:$0x18000] =	vst v63  }
0xb3: {  	_ =	swait.ge [sflag:s16], $0x8000  }
0xb4: {  	[sflag:s16] =	ssyncset.done $0x0  }
0xb5: {  	[sflag:s16] =	ssyncadd.s32 $0xFFFF8000  }
0xb6: {  	[hbm4b:s8+s2] =	stream.linear.scatter [tilespmem:s17], [sflag:$0x5], $0x8000, $0x38;
	[tilespmem:$0x18000] =	vst v63  }
0xb7: {  	_ =	swait.ge [sflag:s18], $0x8000  }
0xb8: {  	[sflag:s18] =	ssyncset.done $0x0  }
0xb9: {  	[sflag:s18] =	ssyncadd.s32 $0xFFFF8000  }
0xba: {  	[hbm4b:s9+s2] =	stream.linear.scatter [tilespmem:s19], [sflag:$0x6], $0x8000, $0x38;
	[tilespmem:$0x18000] =	vst v63  }
0xbb: {  	_ =	swait.ge [sflag:s14], $0x8000  }
0xbc: {  	[sflag:s14] =	ssyncset.done $0x0  }
0xbd: {  	[sflag:s14] =	ssyncadd.s32 $0xFFFF8000  }
0xbe: {  	[hbm4b:s10+s2] =	stream.linear.scatter [tilespmem:s2], [sflag:$0x4], $0x8000, $0x38;
	[tilespmem:$0x18000] =	vst v63  }
0xbf: {  	_ =	swait.ge [sflag:s20], $0x8000  }
0xc0: {  	[sflag:s20] =	ssyncset.done $0x0  }
0xc1: {  	s22 =	sadd.s32 $0x1, s22;
	[sflag:s20] =	ssyncadd.s32 $0xFFFF8000  }
0xc2: {  	p0 =	sne.s32 s22, s11;
	_ =	swait.ge [sflag:s21], $0x8000  }
.Ltmp4:
0xc3: {  	[sflag:s21] =	ssyncset.done $0x0;
	(pc) =	sbr.rel @p0 .LBB2_1-.Ltmp4, $4  }
0xc4: {  	[sflag:s21] =	ssyncadd.s32 $0xFFFF8000  }
0xc5: {  	_ =	swait.ge [sflag:s15], $0x8000  }
0xc6: {  	[sflag:s15] =	ssyncset.done $0x0  }
0xc7: {  	[sflag:s15] =	ssyncadd.s32 $0xFFFF8000  }
0xc8: {  	_ =	sfence.sel $0x180000  }
0xc9: {  	[bflag:$0x0] =	sbarrier.arrive $0xFFFF  }
0xca: {  	p0 =	sne.s32 s1, $0x0;
	_ =	strace $0x90000047  }
0xcb: {  	s0 =	sadd.s32 @!p0 $0x100000, s0;
	[bflag:$0x2] =	sbarrier.arrive $0xFFFF  }
0xcc: {  	[sflag:s0] =	ssyncadd.tile.s32 @!p0 $0x1;
	_ =	shalt  }
.Lfunc_end2:
_tile_overlayer_lowered:
.L_overlay_start_2:
0xcd: {  	(tag) =	ssettag $0x2  }
0xce: {  	s0 =	rddreg [dreg:$0x0];
	s2 =	stileid.u32  }
0xcf: {  	s1 =	rddreg [dreg:$0x1];
	p0 =	sne.s32 s2, $0x0  }
0xd0: {  	s3 =	rddreg [dreg:$0x2];
	[bflag:$0x3] =	sbarrier.arrive $0xFFFF;
	s2 =	simm.s32 @!p0 $0x1C07  }
0xd1: {  	[timem:s3], [sflag:s2] =	dma.local @!p0 [hbm:s0], s1  }
0xd2: {  	s0 =	simm.s32 @!p0 $0x7  }
0xd3: {  	_ =	swait.ge @!p0 [sflag:s0], s1  }
0xd4: {  	s1 =	ssub.s32 @!p0 $0x0, s1;
	[sflag:s0] =	ssyncset.done @!p0 $0x0  }
0xd5: {  	[sflag:s0] =	ssyncadd.s32 @!p0 s1  }
0xd6: {  	[bflag:$0x3] =	sbarrier.arrive $0xFFFF  }
0xd7: {  	_ =	shalt  }

</sc_bundles>
